<compile_context>
chip_gen: v7x
topology: tpu7x:2x2x1
jax: 0.10.2.dev20260603
libtpu: 0.0.44.dev20260713+nightly
codegen_flags: <defaults>
</compile_context>

<pallas_src>
import functools

import jax
import jax.numpy as jnp
from jax import lax
from jax.experimental import pallas as pl
from jax.experimental.pallas import tpu as pltpu
from jax.experimental.pallas import tpu_sc as plsc

_N_ROWS = 16384
_N_COLS = 1204
_NUM_CLASSES = 1203
_LOGIT_THR = 0.8472978603872034
_COMMON_START = 337.0
_FREQ_START = 798.0
_LOG2E = 1.4426950408889634
_LN2 = 0.6931471805599453

_LOG1P_C = (
    3.386965319318591e-08, 0.9999942724811738, -0.4998385618341258,
    0.33154861651921536, -0.23982616049773758, 0.16582275267795007,
    -0.09325203897171261, 0.03484971246998992, -0.006151470959681176,
)

_TC_COLS = 1152
_BLOCK_ROWS = 1024
_COL_BLOCK = 1152

_NW = 16
_ROWS_PER_W = _N_ROWS // _NW
_CHUNK = 128
_NCHUNK = _ROWS_PER_W // _CHUNK
_SC_COL0 = 1152
_SC_W = 52


def _tc_kernel(lbl_full_ref, x_ref, lbl_ref, out_ref, smem, tri_ref):
    r = pl.program_id(0)
    c = pl.program_id(1)
    ncb = pl.num_programs(1)

    @pl.when((r == 0) & (c == 0))
    def _first():
        smem[0] = 0
        smem[1] = jnp.sum((lbl_full_ref[...] == _NUM_CLASSES).astype(jnp.int32))
        ii = jax.lax.broadcasted_iota(jnp.int32, (_BLOCK_ROWS, _BLOCK_ROWS), 0)
        jj = jax.lax.broadcasted_iota(jnp.int32, (_BLOCK_ROWS, _BLOCK_ROWS), 1)
        tri_ref[...] = (jj < ii).astype(jnp.float32)

    lbl = lbl_ref[...]
    bg = lbl == _NUM_CLASSES
    bg_f = bg.astype(jnp.float32)
    prefix = smem[0]
    nb = smem[1]

    @pl.when(c == ncb - 1)
    def _bump():
        smem[0] = prefix + jnp.sum(bg_f.astype(jnp.int32))

    rank = jax.lax.dot_general(
        tri_ref[...], bg_f, (((1,), (0,)), ((), ())),
        preferred_element_type=jnp.float32,
    ) + prefix.astype(jnp.float32)
    t1 = jnp.floor((nb.astype(jnp.float32) + 0.5) * 0.01)
    t2 = jnp.floor((nb.astype(jnp.float32) + 0.5) * 0.1)
    start = jnp.where(rank < t1, 0.0,
                      jnp.where(rank < t2, _COMMON_START, _FREQ_START))

    x = x_ref[...]
    cols = jax.lax.broadcasted_iota(jnp.int32, (1, _COL_BLOCK), 1) + c * _COL_BLOCK
    cols_f = cols.astype(jnp.float32)
    is_lbl = cols == lbl

    x2 = x * _LOG2E
    sp2 = jnp.log2(1.0 + jnp.exp2(x2))

    lhs = jnp.where(bg, cols_f, x)
    rhs = jnp.where(bg, start, _LOGIT_THR)
    base = jnp.where(lhs >= rhs, sp2, 0.0)
    contrib = jnp.where(is_lbl, sp2 - x2, base)

    acc = jnp.sum(contrib, keepdims=True)

    @pl.when((r == 0) & (c == 0))
    def _init():
        out_ref[...] = acc

    @pl.when((r != 0) | (c != 0))
    def _acc():
        out_ref[...] += acc


def _sc_softplus(xv):
    a = jnp.abs(xv)
    t = jnp.exp(-a)
    q = jnp.float32(_LOG1P_C[8])
    for coef in _LOG1P_C[7::-1]:
        q = q * t + jnp.float32(coef)
    return jnp.maximum(xv, 0.0) + q


def _sc_kernel(x_hbm, lbl_hbm, out_hbm, lbl_v, xbuf, outbuf, sem0, sem1):
    wid = lax.axis_index("s")
    base = wid * _ROWS_PER_W

    pltpu.sync_copy(lbl_hbm.at[pl.ds(base, _ROWS_PER_W)],
                    lbl_v.at[pl.ds(0, _ROWS_PER_W)])

    iota_f = lax.iota(jnp.int32, 16).astype(jnp.float32)

    def _row_body(j, acc, g, buf):
        lbl_s = lbl_v[pl.ds(g * _CHUNK + j, 16)][0]
        bg = lbl_s == _NUM_CLASSES
        rhs_s = jnp.where(bg, jnp.float32(-3.0e38), jnp.float32(_LOGIT_THR))
        rhs = jnp.full((16,), rhs_s)
        lbl_f = jnp.full((16,), lbl_s.astype(jnp.float32))
        for k in range(4):
            off = k * 16 if k < 3 else _SC_W - 16
            colv = iota_f + jnp.float32(_SC_COL0 + off)
            xv = xbuf[buf, j, pl.ds(off, 16)]
            sp = _sc_softplus(xv)
            contrib = jnp.where(xv >= rhs, sp, 0.0)
            contrib = jnp.where(colv == lbl_f, sp - xv, contrib)
            if k == 3:
                contrib = jnp.where(colv >= jnp.float32(_SC_COL0 + 48),
                                    contrib, 0.0)
            acc = acc + contrib
        return acc

    def _start_dma(g, buf, sem):
        r0 = base + g * _CHUNK
        return pltpu.async_copy(
            x_hbm.at[pl.ds(r0, _CHUNK), pl.ds(_SC_COL0, _SC_W)],
            xbuf.at[buf], sem)

    sems = (sem0, sem1)
    _start_dma(0, 0, sems[0])
    _start_dma(1, 1, sems[1])

    def _pair_body(p, acc):
        for b in (0, 1):
            g = p * 2 + b
            pltpu.make_async_copy(
                x_hbm.at[pl.ds(0, _CHUNK), pl.ds(_SC_COL0, _SC_W)],
                xbuf.at[b], sems[b]).wait()
            acc = lax.fori_loop(
                0, _CHUNK, functools.partial(_row_body, g=g, buf=b), acc)

            @pl.when(g + 2 < _NCHUNK)
            def _next():
                _start_dma(g + 2, b, sems[b])
        return acc

    acc = lax.fori_loop(
        0, _NCHUNK // 2, _pair_body, jnp.zeros((16,), jnp.float32))

    outbuf[...] = acc
    pltpu.sync_copy(outbuf, out_hbm.at[pl.ds(wid * 16, 16)])


@functools.partial(jax.jit, static_argnames=("interpret",))
def kernel(cls_logits, labels, interpret=False):
    n_i, n_c = cls_logits.shape
    nrb = _N_ROWS // _BLOCK_ROWS
    ncb = _TC_COLS // _COL_BLOCK

    lbl2 = labels.reshape(n_i, 1)

    mesh = plsc.VectorSubcoreMesh(core_axis_name="c", subcore_axis_name="s",
                                  num_cores=1)
    sc_out = pl.kernel(
        _sc_kernel,
        mesh=mesh,
        out_type=jax.ShapeDtypeStruct((_NW * 16,), jnp.float32),
        scratch_types=[
            pltpu.VMEM((_ROWS_PER_W + 16,), jnp.int32),
            pltpu.VMEM((2, _CHUNK, _SC_W), jnp.float32),
            pltpu.VMEM((16,), jnp.float32),
            pltpu.SemaphoreType.DMA,
            pltpu.SemaphoreType.DMA,
        ],
    )(cls_logits, labels)

    tc_out = pl.pallas_call(
        _tc_kernel,
        grid=(nrb, ncb),
        in_specs=[
            pl.BlockSpec((128, 128), lambda r, c: (0, 0)),
            pl.BlockSpec((_BLOCK_ROWS, _COL_BLOCK), lambda r, c: (r, c)),
            pl.BlockSpec((_BLOCK_ROWS, 1), lambda r, c: (r, 0)),
        ],
        out_specs=pl.BlockSpec((1, 1), lambda r, c: (0, 0)),
        out_shape=jax.ShapeDtypeStruct((1, 1), cls_logits.dtype),
        scratch_shapes=[
            pltpu.SMEM((2,), jnp.int32),
            pltpu.VMEM((_BLOCK_ROWS, _BLOCK_ROWS), jnp.float32),
        ],
        interpret=interpret,
    )(labels.reshape(128, 128), cls_logits, lbl2)

    return (tc_out[0, 0] * _LN2 + jnp.sum(sc_out)) * (1.0 / _N_ROWS)

# --- scband reference (transcript-rebuilt; emitter-appended) ---
"""Pipeline reference for scband-acsl-83751862272634 (READ-ONLY COPY).

The authoritative reference and input builder live on the scoring server;
editing this copy changes nothing except your own understanding.
"""

import jax, jax.numpy as jnp
import numpy as np

NUM_CLASSES = 1203
SCORE_THR = 0.7
# Deterministic LVIS-like frequency partition (337 rare / 461 common / 405 frequent)
RARE = jnp.arange(0, 337)
COMMON = jnp.arange(337, 798)
FREQ = jnp.arange(798, 1203)


def _bce_with_logits(x, t):
    # numerically stable binary_cross_entropy_with_logits, reduction='none'
    return jnp.maximum(x, 0.0) - x * t + jnp.log1p(jnp.exp(-jnp.abs(x)))


def setup_inputs(seed: int = 0) -> dict:
    key = jax.random.key(seed)
    k1, k2 = jax.random.split(key)
    cls_logits = jax.random.normal(k1, (16384, 1204), dtype=jnp.float32)
    labels = jax.random.randint(k2, (16384,), 0, 1204, dtype=jnp.int32)
    return {"cls_logits": cls_logits, "labels": labels}


def reference(cls_logits, labels):
    n_i, n_c = cls_logits.shape
    rows = jnp.arange(n_i)
    # target: one-hot of labels (bg rows get target[:, num_classes] = 1, matching torch code)
    target = jnp.zeros((n_i, n_c), dtype=cls_logits.dtype).at[rows, labels].set(1.0)
    # high-score weight mask (computed under no_grad in torch)
    hs = (jax.nn.sigmoid(cls_logits) >= SCORE_THR).astype(cls_logits.dtype)
    bg = labels == NUM_CLASSES
    wm = jnp.where(bg[:, None], jnp.zeros((), cls_logits.dtype), hs)
    # background rows: enable rare/common/freq category columns on 1%/10%/100% subsets
    bg_i = bg.astype(jnp.int32)
    nb = jnp.sum(bg_i)
    rank = jnp.cumsum(bg_i) - 1
    r_in = bg & (rank < nb // 100)
    c_in = bg & (rank < nb // 10)
    f_in = bg
    cols = jnp.arange(n_c)
    rare_cols = jnp.zeros((n_c,), dtype=bool).at[RARE].set(True)
    common_cols = jnp.zeros((n_c,), dtype=bool).at[COMMON].set(True)
    freq_cols = jnp.zeros((n_c,), dtype=bool).at[FREQ].set(True)
    one = jnp.ones((), cls_logits.dtype)
    wm = jnp.where(r_in[:, None] & rare_cols[None, :], one, wm)
    wm = jnp.where(c_in[:, None] & common_cols[None, :], one, wm)
    wm = jnp.where(f_in[:, None] & freq_cols[None, :], one, wm)
    # every row: enable its own label column (bg -> num_classes column)
    wm = wm.at[rows, labels].set(1.0)
    wm = jax.lax.stop_gradient(wm)
    target = jax.lax.stop_gradient(target)
    cls_loss = _bce_with_logits(cls_logits, target)
    return jnp.sum(wm * cls_loss) / n_i

if __name__ == "__main__":
    import jax
    _d = setup_inputs()
    print(jax.jit(kernel)(*tuple(_d.values())))

</pallas_src>

<mosaic_0001>
#map = affine_map<(d0, d1) -> (0, 0)>
#map1 = affine_map<(d0, d1) -> (0)>
module attributes {stable_mosaic.version = 14 : i64} {
  func.func @_sc_kernel(%arg0: i32, %arg1: i32, %arg2: memref<16384x1204xf32, #tpu.memory_space<hbm>>, %arg3: memref<16384xi32, #tpu.memory_space<hbm>>, %arg4: memref<256xf32, #tpu.memory_space<hbm>>, %arg5: memref<1040xi32, #tpu.memory_space<vmem>>, %arg6: memref<2x128x52xf32, #tpu.memory_space<vmem>>, %arg7: memref<16xf32, #tpu.memory_space<vmem>>, %arg8: memref<!tpu.dma_semaphore, #tpu.memory_space<semaphore_mem>>, %arg9: memref<!tpu.dma_semaphore, #tpu.memory_space<semaphore_mem>>) attributes {dimension_semantics = [#tpu.dimension_semantics<core_parallel>, #tpu.dimension_semantics<subcore_parallel>], iteration_bounds = array<i64: 1, 16>, scalar_prefetch = 0 : i64, scratch_operands = 5 : i64, tpu.core_type = #tpu.core_type<sc_vector_subcore>, window_params = [{transform_indices = #map}, {transform_indices = #map1}, {transform_indices = #map1}]} {
    %mul3A = arith.constant 1024 : i32
    %mul3A_0 = arith.muli %arg1, %mul3A : i32
    "tpu.region"() ({
      %run_scoped3A = tpu.sem_alloc : memref<!tpu.dma_semaphore, #tpu.memory_space<semaphore_mem>>
      %dma_start3A_40 = arith.constant 0 : i32
      %dma_start3A_41 = tpu.memref_slice %arg5[%dma_start3A_40] : memref<1040xi32, #tpu.memory_space<vmem>> -> memref<1024xi32, #tpu.memory_space<vmem>>
      %dma_start3A_42 = tpu.memref_slice %arg3[%mul3A_0] : memref<16384xi32, #tpu.memory_space<hbm>> -> memref<1024xi32, #tpu.memory_space<hbm>>
      %dma_start3A_43 = arith.constant 0 : i32
      %dma_start3A_44 = tpu.memref_slice %arg5[%dma_start3A_43] : memref<1040xi32, #tpu.memory_space<vmem>> -> memref<1024xi32, #tpu.memory_space<vmem>>
      %dma_start3A_45 = tpu.memref_slice %arg3[%mul3A_0] : memref<16384xi32, #tpu.memory_space<hbm>> -> memref<1024xi32, #tpu.memory_space<hbm>>
      tpu.enqueue_dma source(%dma_start3A_45 : memref<1024xi32, #tpu.memory_space<hbm>>) target(%dma_start3A_44 : memref<1024xi32, #tpu.memory_space<vmem>>) target_semaphore(%run_scoped3A : memref<!tpu.dma_semaphore, #tpu.memory_space<semaphore_mem>>)
      %dma_wait3A = arith.constant 0 : i32
      %dma_wait3A_46 = tpu.memref_slice %arg5[%dma_wait3A] : memref<1040xi32, #tpu.memory_space<vmem>> -> memref<1024xi32, #tpu.memory_space<vmem>>
      %dma_wait3A_47 = tpu.memref_slice %arg3[%mul3A_0] : memref<16384xi32, #tpu.memory_space<hbm>> -> memref<1024xi32, #tpu.memory_space<hbm>>
      %dma_wait3A_48 = arith.constant 0 : i32
      %dma_wait3A_49 = tpu.memref_slice %arg5[%dma_wait3A_48] : memref<1040xi32, #tpu.memory_space<vmem>> -> memref<1024xi32, #tpu.memory_space<vmem>>
      %dma_wait3A_50 = tpu.memref_slice %arg3[%mul3A_0] : memref<16384xi32, #tpu.memory_space<hbm>> -> memref<1024xi32, #tpu.memory_space<hbm>>
      tpu.wait_dma2 semaphore(%run_scoped3A : memref<!tpu.dma_semaphore, #tpu.memory_space<semaphore_mem>>) src(%dma_wait3A_50 : memref<1024xi32, #tpu.memory_space<hbm>>) dst(%dma_wait3A_49 : memref<1024xi32, #tpu.memory_space<vmem>>)
      tpu.yield
    }) : () -> ()
    %iota3A = tpu.iota {dimensions = array<i32: 0>} : vector<16xi32>
    %convert_element_type3A = arith.sitofp %iota3A : vector<16xi32> to vector<16xf32>
    %add3A = arith.constant 0 : i32
    %add3A_1 = arith.addi %mul3A_0, %add3A : i32
    %dma_start3A = arith.constant 0 : i32
    %dma_start3A_2 = arith.constant 0 : i32
    %dma_start3A_3 = arith.constant 0 : i32
    %dma_start3A_4 = tpu.memref_slice %arg6[%dma_start3A, %dma_start3A_2, %dma_start3A_3] : memref<2x128x52xf32, #tpu.memory_space<vmem>> -> memref<1x128x52xf32, #tpu.memory_space<vmem>>
    %dma_start3A_5 = tpu.memref_squeeze %dma_start3A_4 : memref<1x128x52xf32, #tpu.memory_space<vmem>> -> memref<128x52xf32, #tpu.memory_space<vmem>>
    %dma_start3A_6 = arith.constant 1152 : i32
    %dma_start3A_7 = tpu.memref_slice %arg2[%add3A_1, %dma_start3A_6] : memref<16384x1204xf32, #tpu.memory_space<hbm>> -> memref<128x52xf32, #tpu.memory_space<hbm>>
    %dma_start3A_8 = arith.constant 0 : i32
    %dma_start3A_9 = arith.constant 0 : i32
    %dma_start3A_10 = tpu.memref_slice %arg6[%dma_start3A, %dma_start3A_8, %dma_start3A_9] : memref<2x128x52xf32, #tpu.memory_space<vmem>> -> memref<1x128x52xf32, #tpu.memory_space<vmem>>
    %dma_start3A_11 = tpu.memref_squeeze %dma_start3A_10 : memref<1x128x52xf32, #tpu.memory_space<vmem>> -> memref<128x52xf32, #tpu.memory_space<vmem>>
    %dma_start3A_12 = arith.constant 1152 : i32
    %dma_start3A_13 = tpu.memref_slice %arg2[%add3A_1, %dma_start3A_12] : memref<16384x1204xf32, #tpu.memory_space<hbm>> -> memref<128x52xf32, #tpu.memory_space<hbm>>
    tpu.enqueue_dma source(%dma_start3A_13 : memref<128x52xf32, #tpu.memory_space<hbm>>) target(%dma_start3A_11 : memref<128x52xf32, #tpu.memory_space<vmem>>) target_semaphore(%arg8 : memref<!tpu.dma_semaphore, #tpu.memory_space<semaphore_mem>>)
    %add3A_14 = arith.constant 128 : i32
    %add3A_15 = arith.addi %mul3A_0, %add3A_14 : i32
    %dma_start3A_16 = arith.constant 1 : i32
    %dma_start3A_17 = arith.constant 0 : i32
    %dma_start3A_18 = arith.constant 0 : i32
    %dma_start3A_19 = tpu.memref_slice %arg6[%dma_start3A_16, %dma_start3A_17, %dma_start3A_18] : memref<2x128x52xf32, #tpu.memory_space<vmem>> -> memref<1x128x52xf32, #tpu.memory_space<vmem>>
    %dma_start3A_20 = tpu.memref_squeeze %dma_start3A_19 : memref<1x128x52xf32, #tpu.memory_space<vmem>> -> memref<128x52xf32, #tpu.memory_space<vmem>>
    %dma_start3A_21 = arith.constant 1152 : i32
    %dma_start3A_22 = tpu.memref_slice %arg2[%add3A_15, %dma_start3A_21] : memref<16384x1204xf32, #tpu.memory_space<hbm>> -> memref<128x52xf32, #tpu.memory_space<hbm>>
    %dma_start3A_23 = arith.constant 0 : i32
    %dma_start3A_24 = arith.constant 0 : i32
    %dma_start3A_25 = tpu.memref_slice %arg6[%dma_start3A_16, %dma_start3A_23, %dma_start3A_24] : memref<2x128x52xf32, #tpu.memory_space<vmem>> -> memref<1x128x52xf32, #tpu.memory_space<vmem>>
    %dma_start3A_26 = tpu.memref_squeeze %dma_start3A_25 : memref<1x128x52xf32, #tpu.memory_space<vmem>> -> memref<128x52xf32, #tpu.memory_space<vmem>>
    %dma_start3A_27 = arith.constant 1152 : i32
    %dma_start3A_28 = tpu.memref_slice %arg2[%add3A_15, %dma_start3A_27] : memref<16384x1204xf32, #tpu.memory_space<hbm>> -> memref<128x52xf32, #tpu.memory_space<hbm>>
    tpu.enqueue_dma source(%dma_start3A_28 : memref<128x52xf32, #tpu.memory_space<hbm>>) target(%dma_start3A_26 : memref<128x52xf32, #tpu.memory_space<vmem>>) target_semaphore(%arg9 : memref<!tpu.dma_semaphore, #tpu.memory_space<semaphore_mem>>)
    %broadcast_in_dim3A = arith.constant 0.000000e+00 : f32
    %broadcast_in_dim3A_29 = vector.broadcast %broadcast_in_dim3A : f32 to vector<16xf32>
    %scan3A = arith.constant 0 : i32
    %scan3A_30 = arith.constant 4 : i32
    %scan3A_31 = arith.addi %scan3A, %scan3A_30 : i32
    %scan3A_32 = arith.constant 1 : i32
    %scan3A_33 = scf.for %scan3A_40 = %scan3A to %scan3A_31 step %scan3A_32 iter_args(%scan3A_41 = %broadcast_in_dim3A_29) -> (vector<16xf32>)  : i32 {
      %mul3A_42 = arith.constant 2 : i32
      %mul3A_43 = arith.muli %scan3A_40, %mul3A_42 : i32
      %add3A_44 = arith.constant 0 : i32
      %add3A_45 = arith.addi %mul3A_43, %add3A_44 : i32
      %dma_wait3A = arith.constant 0 : i32
      %dma_wait3A_46 = arith.constant 0 : i32
      %dma_wait3A_47 = arith.constant 0 : i32
      %dma_wait3A_48 = tpu.memref_slice %arg6[%dma_wait3A, %dma_wait3A_46, %dma_wait3A_47] : memref<2x128x52xf32, #tpu.memory_space<vmem>> -> memref<1x128x52xf32, #tpu.memory_space<vmem>>
      %dma_wait3A_49 = tpu.memref_squeeze %dma_wait3A_48 : memref<1x128x52xf32, #tpu.memory_space<vmem>> -> memref<128x52xf32, #tpu.memory_space<vmem>>
      %dma_wait3A_50 = arith.constant 0 : i32
      %dma_wait3A_51 = arith.constant 1152 : i32
      %dma_wait3A_52 = tpu.memref_slice %arg2[%dma_wait3A_50, %dma_wait3A_51] : memref<16384x1204xf32, #tpu.memory_space<hbm>> -> memref<128x52xf32, #tpu.memory_space<hbm>>
      %dma_wait3A_53 = arith.constant 0 : i32
      %dma_wait3A_54 = arith.constant 0 : i32
      %dma_wait3A_55 = tpu.memref_slice %arg6[%dma_wait3A, %dma_wait3A_53, %dma_wait3A_54] : memref<2x128x52xf32, #tpu.memory_space<vmem>> -> memref<1x128x52xf32, #tpu.memory_space<vmem>>
      %dma_wait3A_56 = tpu.memref_squeeze %dma_wait3A_55 : memref<1x128x52xf32, #tpu.memory_space<vmem>> -> memref<128x52xf32, #tpu.memory_space<vmem>>
      %dma_wait3A_57 = arith.constant 0 : i32
      %dma_wait3A_58 = arith.constant 1152 : i32
      %dma_wait3A_59 = tpu.memref_slice %arg2[%dma_wait3A_57, %dma_wait3A_58] : memref<16384x1204xf32, #tpu.memory_space<hbm>> -> memref<128x52xf32, #tpu.memory_space<hbm>>
      tpu.wait_dma2 semaphore(%arg8 : memref<!tpu.dma_semaphore, #tpu.memory_space<semaphore_mem>>) src(%dma_wait3A_59 : memref<128x52xf32, #tpu.memory_space<hbm>>) dst(%dma_wait3A_56 : memref<128x52xf32, #tpu.memory_space<vmem>>)
      %scan3A_60 = arith.constant 0 : i32
      %scan3A_61 = arith.constant 128 : i32
      %scan3A_62 = arith.addi %scan3A_60, %scan3A_61 : i32
      %scan3A_63 = arith.constant 1 : i32
      %scan3A_64 = scf.for %scan3A_103 = %scan3A_60 to %scan3A_62 step %scan3A_63 iter_args(%scan3A_104 = %scan3A_41) -> (vector<16xf32>)  : i32 {
        %mul3A_105 = arith.constant 128 : i32
        %mul3A_106 = arith.muli %add3A_45, %mul3A_105 : i32
        %add3A_107 = arith.addi %mul3A_106, %scan3A_103 : i32
        %get3A = arith.index_cast %add3A_107 : i32 to index
        %get3A_108 = tpu.vector_load %arg5[%get3A] {strides = array<i32>} : memref<1040xi32, #tpu.memory_space<vmem>>, vector<16xi32>,
        %get3A_109 = vector.shape_cast %get3A_108 : vector<16xi32> to vector<16xi32>
        %slice3A = vector.extract_strided_slice %get3A_109 {offsets = [0], sizes = [1], strides = [1]} : vector<16xi32> to vector<1xi32>
        %squeeze3A = vector.extract %slice3A[0] : i32 from vector<1xi32>
        %eq3A = arith.constant 1203 : i32
        %eq3A_110 = arith.cmpi eq, %squeeze3A, %eq3A : i32
        %jit3A = arith.constant -3.000000e+38 : f32
        %jit3A_111 = arith.constant 0.847297847 : f32
        %select_n3A = arith.select %eq3A_110, %jit3A, %jit3A_111 : f32
        %broadcast_in_dim3A_112 = vector.broadcast %select_n3A : f32 to vector<16xf32>
        %convert_element_type3A_113 = arith.sitofp %squeeze3A : i32 to f32
        %broadcast_in_dim3A_114 = vector.broadcast %convert_element_type3A_113 : f32 to vector<16xf32>
        %add3A_115 = arith.constant 1.152000e+03 : f32
        %add3A_116 = vector.broadcast %add3A_115 : f32 to vector<16xf32>
        %add3A_117 = arith.addf %convert_element_type3A, %add3A_116 : vector<16xf32>
        %get3A_118 = arith.constant 0 : i32
        %get3A_119 = arith.index_cast %get3A_118 : i32 to index
        %get3A_120 = arith.index_cast %scan3A_103 : i32 to index
        %get3A_121 = arith.constant 0 : index
        %get3A_122 = tpu.vector_load %arg6[%get3A_119, %get3A_120, %get3A_121] {strides = array<i32>} : memref<2x128x52xf32, #tpu.memory_space<vmem>>, vector<1x1x16xf32>,
        %get3A_123 = vector.shape_cast %get3A_122 : vector<1x1x16xf32> to vector<16xf32>
        %abs3A = math.absf %get3A_123 : vector<16xf32>
        %neg3A = arith.constant 0.000000e+00 : f32
        %neg3A_124 = vector.broadcast %neg3A : f32 to vector<16xf32>
        %neg3A_125 = arith.subf %neg3A_124, %abs3A : vector<16xf32>
        %exp3A = math.exp %neg3A_125 : vector<16xf32>
        %mul3A_126 = arith.constant -0.00615147082 : f32
        %mul3A_127 = vector.broadcast %mul3A_126 : f32 to vector<16xf32>
        %mul3A_128 = arith.mulf %mul3A_127, %exp3A : vector<16xf32>
        %add3A_129 = arith.constant 0.0348497108 : f32
        %add3A_130 = vector.broadcast %add3A_129 : f32 to vector<16xf32>
        %add3A_131 = arith.addf %mul3A_128, %add3A_130 : vector<16xf32>
        %mul3A_132 = arith.mulf %add3A_131, %exp3A : vector<16xf32>
        %add3A_133 = arith.constant -0.0932520404 : f32
        %add3A_134 = vector.broadcast %add3A_133 : f32 to vector<16xf32>
        %add3A_135 = arith.addf %mul3A_132, %add3A_134 : vector<16xf32>
        %mul3A_136 = arith.mulf %add3A_135, %exp3A : vector<16xf32>
        %add3A_137 = arith.constant 0.165822759 : f32
        %add3A_138 = vector.broadcast %add3A_137 : f32 to vector<16xf32>
        %add3A_139 = arith.addf %mul3A_136, %add3A_138 : vector<16xf32>
        %mul3A_140 = arith.mulf %add3A_139, %exp3A : vector<16xf32>
        %add3A_141 = arith.constant -0.239826158 : f32
        %add3A_142 = vector.broadcast %add3A_141 : f32 to vector<16xf32>
        %add3A_143 = arith.addf %mul3A_140, %add3A_142 : vector<16xf32>
        %mul3A_144 = arith.mulf %add3A_143, %exp3A : vector<16xf32>
        %add3A_145 = arith.constant 0.331548631 : f32
        %add3A_146 = vector.broadcast %add3A_145 : f32 to vector<16xf32>
        %add3A_147 = arith.addf %mul3A_144, %add3A_146 : vector<16xf32>
        %mul3A_148 = arith.mulf %add3A_147, %exp3A : vector<16xf32>
        %add3A_149 = arith.constant -0.499838561 : f32
        %add3A_150 = vector.broadcast %add3A_149 : f32 to vector<16xf32>
        %add3A_151 = arith.addf %mul3A_148, %add3A_150 : vector<16xf32>
        %mul3A_152 = arith.mulf %add3A_151, %exp3A : vector<16xf32>
        %add3A_153 = arith.constant 0.999994277 : f32
        %add3A_154 = vector.broadcast %add3A_153 : f32 to vector<16xf32>
        %add3A_155 = arith.addf %mul3A_152, %add3A_154 : vector<16xf32>
        %mul3A_156 = arith.mulf %add3A_155, %exp3A : vector<16xf32>
        %add3A_157 = arith.constant 3.38696537E-8 : f32
        %add3A_158 = vector.broadcast %add3A_157 : f32 to vector<16xf32>
        %add3A_159 = arith.addf %mul3A_156, %add3A_158 : vector<16xf32>
        %max3A = arith.constant 0.000000e+00 : f32
        %max3A_160 = vector.broadcast %max3A : f32 to vector<16xf32>
        %max3A_161 = arith.maximumf %get3A_123, %max3A_160 : vector<16xf32>
        %add3A_162 = arith.addf %max3A_161, %add3A_159 : vector<16xf32>
        %ge3A = arith.cmpf oge, %get3A_123, %broadcast_in_dim3A_112 : vector<16xf32>
        %jit3A_163 = arith.constant 0.000000e+00 : f32
        %broadcast_in_dim3A_164 = vector.broadcast %jit3A_163 : f32 to vector<16xf32>
        %select_n3A_165 = arith.select %ge3A, %add3A_162, %broadcast_in_dim3A_164 : vector<16xi1>, vector<16xf32>
        %eq3A_166 = arith.cmpf oeq, %add3A_117, %broadcast_in_dim3A_114 : vector<16xf32>
        %sub3A = arith.subf %add3A_162, %get3A_123 : vector<16xf32>
        %select_n3A_167 = arith.select %eq3A_166, %sub3A, %select_n3A_165 : vector<16xi1>, vector<16xf32>
        %add3A_168 = arith.addf %scan3A_104, %select_n3A_167 : vector<16xf32>
        %add3A_169 = arith.constant 1.168000e+03 : f32
        %add3A_170 = vector.broadcast %add3A_169 : f32 to vector<16xf32>
        %add3A_171 = arith.addf %convert_element_type3A, %add3A_170 : vector<16xf32>
        %get3A_172 = arith.constant 0 : i32
        %get3A_173 = arith.index_cast %get3A_172 : i32 to index
        %get3A_174 = arith.index_cast %scan3A_103 : i32 to index
        %get3A_175 = arith.constant 16 : index
        %get3A_176 = tpu.vector_load %arg6[%get3A_173, %get3A_174, %get3A_175] {strides = array<i32>} : memref<2x128x52xf32, #tpu.memory_space<vmem>>, vector<1x1x16xf32>,
        %get3A_177 = vector.shape_cast %get3A_176 : vector<1x1x16xf32> to vector<16xf32>
        %abs3A_178 = math.absf %get3A_177 : vector<16xf32>
        %neg3A_179 = arith.constant 0.000000e+00 : f32
        %neg3A_180 = vector.broadcast %neg3A_179 : f32 to vector<16xf32>
        %neg3A_181 = arith.subf %neg3A_180, %abs3A_178 : vector<16xf32>
        %exp3A_182 = math.exp %neg3A_181 : vector<16xf32>
        %mul3A_183 = arith.constant -0.00615147082 : f32
        %mul3A_184 = vector.broadcast %mul3A_183 : f32 to vector<16xf32>
        %mul3A_185 = arith.mulf %mul3A_184, %exp3A_182 : vector<16xf32>
        %add3A_186 = arith.constant 0.0348497108 : f32
        %add3A_187 = vector.broadcast %add3A_186 : f32 to vector<16xf32>
        %add3A_188 = arith.addf %mul3A_185, %add3A_187 : vector<16xf32>
        %mul3A_189 = arith.mulf %add3A_188, %exp3A_182 : vector<16xf32>
        %add3A_190 = arith.constant -0.0932520404 : f32
        %add3A_191 = vector.broadcast %add3A_190 : f32 to vector<16xf32>
        %add3A_192 = arith.addf %mul3A_189, %add3A_191 : vector<16xf32>
        %mul3A_193 = arith.mulf %add3A_192, %exp3A_182 : vector<16xf32>
        %add3A_194 = arith.constant 0.165822759 : f32
        %add3A_195 = vector.broadcast %add3A_194 : f32 to vector<16xf32>
        %add3A_196 = arith.addf %mul3A_193, %add3A_195 : vector<16xf32>
        %mul3A_197 = arith.mulf %add3A_196, %exp3A_182 : vector<16xf32>
        %add3A_198 = arith.constant -0.239826158 : f32
        %add3A_199 = vector.broadcast %add3A_198 : f32 to vector<16xf32>
        %add3A_200 = arith.addf %mul3A_197, %add3A_199 : vector<16xf32>
        %mul3A_201 = arith.mulf %add3A_200, %exp3A_182 : vector<16xf32>
        %add3A_202 = arith.constant 0.331548631 : f32
        %add3A_203 = vector.broadcast %add3A_202 : f32 to vector<16xf32>
        %add3A_204 = arith.addf %mul3A_201, %add3A_203 : vector<16xf32>
        %mul3A_205 = arith.mulf %add3A_204, %exp3A_182 : vector<16xf32>
        %add3A_206 = arith.constant -0.499838561 : f32
        %add3A_207 = vector.broadcast %add3A_206 : f32 to vector<16xf32>
        %add3A_208 = arith.addf %mul3A_205, %add3A_207 : vector<16xf32>
        %mul3A_209 = arith.mulf %add3A_208, %exp3A_182 : vector<16xf32>
        %add3A_210 = arith.constant 0.999994277 : f32
        %add3A_211 = vector.broadcast %add3A_210 : f32 to vector<16xf32>
        %add3A_212 = arith.addf %mul3A_209, %add3A_211 : vector<16xf32>
        %mul3A_213 = arith.mulf %add3A_212, %exp3A_182 : vector<16xf32>
        %add3A_214 = arith.constant 3.38696537E-8 : f32
        %add3A_215 = vector.broadcast %add3A_214 : f32 to vector<16xf32>
        %add3A_216 = arith.addf %mul3A_213, %add3A_215 : vector<16xf32>
        %max3A_217 = arith.constant 0.000000e+00 : f32
        %max3A_218 = vector.broadcast %max3A_217 : f32 to vector<16xf32>
        %max3A_219 = arith.maximumf %get3A_177, %max3A_218 : vector<16xf32>
        %add3A_220 = arith.addf %max3A_219, %add3A_216 : vector<16xf32>
        %ge3A_221 = arith.cmpf oge, %get3A_177, %broadcast_in_dim3A_112 : vector<16xf32>
        %jit3A_222 = arith.constant 0.000000e+00 : f32
        %broadcast_in_dim3A_223 = vector.broadcast %jit3A_222 : f32 to vector<16xf32>
        %select_n3A_224 = arith.select %ge3A_221, %add3A_220, %broadcast_in_dim3A_223 : vector<16xi1>, vector<16xf32>
        %eq3A_225 = arith.cmpf oeq, %add3A_171, %broadcast_in_dim3A_114 : vector<16xf32>
        %sub3A_226 = arith.subf %add3A_220, %get3A_177 : vector<16xf32>
        %select_n3A_227 = arith.select %eq3A_225, %sub3A_226, %select_n3A_224 : vector<16xi1>, vector<16xf32>
        %add3A_228 = arith.addf %add3A_168, %select_n3A_227 : vector<16xf32>
        %add3A_229 = arith.constant 1.184000e+03 : f32
        %add3A_230 = vector.broadcast %add3A_229 : f32 to vector<16xf32>
        %add3A_231 = arith.addf %convert_element_type3A, %add3A_230 : vector<16xf32>
        %get3A_232 = arith.constant 0 : i32
        %get3A_233 = arith.index_cast %get3A_232 : i32 to index
        %get3A_234 = arith.index_cast %scan3A_103 : i32 to index
        %get3A_235 = arith.constant 32 : index
        %get3A_236 = tpu.vector_load %arg6[%get3A_233, %get3A_234, %get3A_235] {strides = array<i32>} : memref<2x128x52xf32, #tpu.memory_space<vmem>>, vector<1x1x16xf32>,
        %get3A_237 = vector.shape_cast %get3A_236 : vector<1x1x16xf32> to vector<16xf32>
        %abs3A_238 = math.absf %get3A_237 : vector<16xf32>
        %neg3A_239 = arith.constant 0.000000e+00 : f32
        %neg3A_240 = vector.broadcast %neg3A_239 : f32 to vector<16xf32>
        %neg3A_241 = arith.subf %neg3A_240, %abs3A_238 : vector<16xf32>
        %exp3A_242 = math.exp %neg3A_241 : vector<16xf32>
        %mul3A_243 = arith.constant -0.00615147082 : f32
        %mul3A_244 = vector.broadcast %mul3A_243 : f32 to vector<16xf32>
        %mul3A_245 = arith.mulf %mul3A_244, %exp3A_242 : vector<16xf32>
        %add3A_246 = arith.constant 0.0348497108 : f32
        %add3A_247 = vector.broadcast %add3A_246 : f32 to vector<16xf32>
        %add3A_248 = arith.addf %mul3A_245, %add3A_247 : vector<16xf32>
        %mul3A_249 = arith.mulf %add3A_248, %exp3A_242 : vector<16xf32>
        %add3A_250 = arith.constant -0.0932520404 : f32
        %add3A_251 = vector.broadcast %add3A_250 : f32 to vector<16xf32>
        %add3A_252 = arith.addf %mul3A_249, %add3A_251 : vector<16xf32>
        %mul3A_253 = arith.mulf %add3A_252, %exp3A_242 : vector<16xf32>
        %add3A_254 = arith.constant 0.165822759 : f32
        %add3A_255 = vector.broadcast %add3A_254 : f32 to vector<16xf32>
        %add3A_256 = arith.addf %mul3A_253, %add3A_255 : vector<16xf32>
        %mul3A_257 = arith.mulf %add3A_256, %exp3A_242 : vector<16xf32>
        %add3A_258 = arith.constant -0.239826158 : f32
        %add3A_259 = vector.broadcast %add3A_258 : f32 to vector<16xf32>
        %add3A_260 = arith.addf %mul3A_257, %add3A_259 : vector<16xf32>
        %mul3A_261 = arith.mulf %add3A_260, %exp3A_242 : vector<16xf32>
        %add3A_262 = arith.constant 0.331548631 : f32
        %add3A_263 = vector.broadcast %add3A_262 : f32 to vector<16xf32>
        %add3A_264 = arith.addf %mul3A_261, %add3A_263 : vector<16xf32>
        %mul3A_265 = arith.mulf %add3A_264, %exp3A_242 : vector<16xf32>
        %add3A_266 = arith.constant -0.499838561 : f32
        %add3A_267 = vector.broadcast %add3A_266 : f32 to vector<16xf32>
        %add3A_268 = arith.addf %mul3A_265, %add3A_267 : vector<16xf32>
        %mul3A_269 = arith.mulf %add3A_268, %exp3A_242 : vector<16xf32>
        %add3A_270 = arith.constant 0.999994277 : f32
        %add3A_271 = vector.broadcast %add3A_270 : f32 to vector<16xf32>
        %add3A_272 = arith.addf %mul3A_269, %add3A_271 : vector<16xf32>
        %mul3A_273 = arith.mulf %add3A_272, %exp3A_242 : vector<16xf32>
        %add3A_274 = arith.constant 3.38696537E-8 : f32
        %add3A_275 = vector.broadcast %add3A_274 : f32 to vector<16xf32>
        %add3A_276 = arith.addf %mul3A_273, %add3A_275 : vector<16xf32>
        %max3A_277 = arith.constant 0.000000e+00 : f32
        %max3A_278 = vector.broadcast %max3A_277 : f32 to vector<16xf32>
        %max3A_279 = arith.maximumf %get3A_237, %max3A_278 : vector<16xf32>
        %add3A_280 = arith.addf %max3A_279, %add3A_276 : vector<16xf32>
        %ge3A_281 = arith.cmpf oge, %get3A_237, %broadcast_in_dim3A_112 : vector<16xf32>
        %jit3A_282 = arith.constant 0.000000e+00 : f32
        %broadcast_in_dim3A_283 = vector.broadcast %jit3A_282 : f32 to vector<16xf32>
        %select_n3A_284 = arith.select %ge3A_281, %add3A_280, %broadcast_in_dim3A_283 : vector<16xi1>, vector<16xf32>
        %eq3A_285 = arith.cmpf oeq, %add3A_231, %broadcast_in_dim3A_114 : vector<16xf32>
        %sub3A_286 = arith.subf %add3A_280, %get3A_237 : vector<16xf32>
        %select_n3A_287 = arith.select %eq3A_285, %sub3A_286, %select_n3A_284 : vector<16xi1>, vector<16xf32>
        %add3A_288 = arith.addf %add3A_228, %select_n3A_287 : vector<16xf32>
        %add3A_289 = arith.constant 1.188000e+03 : f32
        %add3A_290 = vector.broadcast %add3A_289 : f32 to vector<16xf32>
        %add3A_291 = arith.addf %convert_element_type3A, %add3A_290 : vector<16xf32>
        %get3A_292 = arith.constant 0 : i32
        %get3A_293 = arith.index_cast %get3A_292 : i32 to index
        %get3A_294 = arith.index_cast %scan3A_103 : i32 to index
        %get3A_295 = arith.constant 36 : index
        %get3A_296 = tpu.vector_load %arg6[%get3A_293, %get3A_294, %get3A_295] {strides = array<i32>} : memref<2x128x52xf32, #tpu.memory_space<vmem>>, vector<1x1x16xf32>,
        %get3A_297 = vector.shape_cast %get3A_296 : vector<1x1x16xf32> to vector<16xf32>
        %abs3A_298 = math.absf %get3A_297 : vector<16xf32>
        %neg3A_299 = arith.constant 0.000000e+00 : f32
        %neg3A_300 = vector.broadcast %neg3A_299 : f32 to vector<16xf32>
        %neg3A_301 = arith.subf %neg3A_300, %abs3A_298 : vector<16xf32>
        %exp3A_302 = math.exp %neg3A_301 : vector<16xf32>
        %mul3A_303 = arith.constant -0.00615147082 : f32
        %mul3A_304 = vector.broadcast %mul3A_303 : f32 to vector<16xf32>
        %mul3A_305 = arith.mulf %mul3A_304, %exp3A_302 : vector<16xf32>
        %add3A_306 = arith.constant 0.0348497108 : f32
        %add3A_307 = vector.broadcast %add3A_306 : f32 to vector<16xf32>
        %add3A_308 = arith.addf %mul3A_305, %add3A_307 : vector<16xf32>
        %mul3A_309 = arith.mulf %add3A_308, %exp3A_302 : vector<16xf32>
        %add3A_310 = arith.constant -0.0932520404 : f32
        %add3A_311 = vector.broadcast %add3A_310 : f32 to vector<16xf32>
        %add3A_312 = arith.addf %mul3A_309, %add3A_311 : vector<16xf32>
        %mul3A_313 = arith.mulf %add3A_312, %exp3A_302 : vector<16xf32>
        %add3A_314 = arith.constant 0.165822759 : f32
        %add3A_315 = vector.broadcast %add3A_314 : f32 to vector<16xf32>
        %add3A_316 = arith.addf %mul3A_313, %add3A_315 : vector<16xf32>
        %mul3A_317 = arith.mulf %add3A_316, %exp3A_302 : vector<16xf32>
        %add3A_318 = arith.constant -0.239826158 : f32
        %add3A_319 = vector.broadcast %add3A_318 : f32 to vector<16xf32>
        %add3A_320 = arith.addf %mul3A_317, %add3A_319 : vector<16xf32>
        %mul3A_321 = arith.mulf %add3A_320, %exp3A_302 : vector<16xf32>
        %add3A_322 = arith.constant 0.331548631 : f32
        %add3A_323 = vector.broadcast %add3A_322 : f32 to vector<16xf32>
        %add3A_324 = arith.addf %mul3A_321, %add3A_323 : vector<16xf32>
        %mul3A_325 = arith.mulf %add3A_324, %exp3A_302 : vector<16xf32>
        %add3A_326 = arith.constant -0.499838561 : f32
        %add3A_327 = vector.broadcast %add3A_326 : f32 to vector<16xf32>
        %add3A_328 = arith.addf %mul3A_325, %add3A_327 : vector<16xf32>
        %mul3A_329 = arith.mulf %add3A_328, %exp3A_302 : vector<16xf32>
        %add3A_330 = arith.constant 0.999994277 : f32
        %add3A_331 = vector.broadcast %add3A_330 : f32 to vector<16xf32>
        %add3A_332 = arith.addf %mul3A_329, %add3A_331 : vector<16xf32>
        %mul3A_333 = arith.mulf %add3A_332, %exp3A_302 : vector<16xf32>
        %add3A_334 = arith.constant 3.38696537E-8 : f32
        %add3A_335 = vector.broadcast %add3A_334 : f32 to vector<16xf32>
        %add3A_336 = arith.addf %mul3A_333, %add3A_335 : vector<16xf32>
        %max3A_337 = arith.constant 0.000000e+00 : f32
        %max3A_338 = vector.broadcast %max3A_337 : f32 to vector<16xf32>
        %max3A_339 = arith.maximumf %get3A_297, %max3A_338 : vector<16xf32>
        %add3A_340 = arith.addf %max3A_339, %add3A_336 : vector<16xf32>
        %ge3A_341 = arith.cmpf oge, %get3A_297, %broadcast_in_dim3A_112 : vector<16xf32>
        %jit3A_342 = arith.constant 0.000000e+00 : f32
        %broadcast_in_dim3A_343 = vector.broadcast %jit3A_342 : f32 to vector<16xf32>
        %select_n3A_344 = arith.select %ge3A_341, %add3A_340, %broadcast_in_dim3A_343 : vector<16xi1>, vector<16xf32>
        %eq3A_345 = arith.cmpf oeq, %add3A_291, %broadcast_in_dim3A_114 : vector<16xf32>
        %sub3A_346 = arith.subf %add3A_340, %get3A_297 : vector<16xf32>
        %select_n3A_347 = arith.select %eq3A_345, %sub3A_346, %select_n3A_344 : vector<16xi1>, vector<16xf32>
        %ge3A_348 = arith.constant 1.200000e+03 : f32
        %ge3A_349 = vector.broadcast %ge3A_348 : f32 to vector<16xf32>
        %ge3A_350 = arith.cmpf oge, %add3A_291, %ge3A_349 : vector<16xf32>
        %jit3A_351 = arith.constant 0.000000e+00 : f32
        %broadcast_in_dim3A_352 = vector.broadcast %jit3A_351 : f32 to vector<16xf32>
        %select_n3A_353 = arith.select %ge3A_350, %select_n3A_347, %broadcast_in_dim3A_352 : vector<16xi1>, vector<16xf32>
        %add3A_354 = arith.addf %add3A_288, %select_n3A_353 : vector<16xf32>
        scf.yield %add3A_354 : vector<16xf32>
      }
      %scan3A_65 = arith.constant 128 : i32
      %add3A_66 = arith.constant 2 : i32
      %add3A_67 = arith.addi %add3A_45, %add3A_66 : i32
      %lt3A = arith.constant 8 : i32
      %lt3A_68 = arith.cmpi slt, %add3A_67, %lt3A : i32
      %convert_element_type3A_69 = arith.extui %lt3A_68 : i1 to i32
      %cond3A = arith.constant 0 : i32
      %cond3A_70 = arith.cmpi ne, %convert_element_type3A_69, %cond3A : i32
      scf.if %cond3A_70 {
        %add3A_103 = arith.constant 2 : i32
        %add3A_104 = arith.addi %add3A_45, %add3A_103 : i32
        %mul3A_105 = arith.constant 128 : i32
        %mul3A_106 = arith.muli %add3A_104, %mul3A_105 : i32
        %add3A_107 = arith.addi %mul3A_0, %mul3A_106 : i32
        %dma_start3A_108 = arith.constant 0 : i32
        %dma_start3A_109 = arith.constant 0 : i32
        %dma_start3A_110 = arith.constant 0 : i32
        %dma_start3A_111 = tpu.memref_slice %arg6[%dma_start3A_108, %dma_start3A_109, %dma_start3A_110] : memref<2x128x52xf32, #tpu.memory_space<vmem>> -> memref<1x128x52xf32, #tpu.memory_space<vmem>>
        %dma_start3A_112 = tpu.memref_squeeze %dma_start3A_111 : memref<1x128x52xf32, #tpu.memory_space<vmem>> -> memref<128x52xf32, #tpu.memory_space<vmem>>
        %dma_start3A_113 = arith.constant 1152 : i32
        %dma_start3A_114 = tpu.memref_slice %arg2[%add3A_107, %dma_start3A_113] : memref<16384x1204xf32, #tpu.memory_space<hbm>> -> memref<128x52xf32, #tpu.memory_space<hbm>>
        %dma_start3A_115 = arith.constant 0 : i32
        %dma_start3A_116 = arith.constant 0 : i32
        %dma_start3A_117 = tpu.memref_slice %arg6[%dma_start3A_108, %dma_start3A_115, %dma_start3A_116] : memref<2x128x52xf32, #tpu.memory_space<vmem>> -> memref<1x128x52xf32, #tpu.memory_space<vmem>>
        %dma_start3A_118 = tpu.memref_squeeze %dma_start3A_117 : memref<1x128x52xf32, #tpu.memory_space<vmem>> -> memref<128x52xf32, #tpu.memory_space<vmem>>
        %dma_start3A_119 = arith.constant 1152 : i32
        %dma_start3A_120 = tpu.memref_slice %arg2[%add3A_107, %dma_start3A_119] : memref<16384x1204xf32, #tpu.memory_space<hbm>> -> memref<128x52xf32, #tpu.memory_space<hbm>>
        tpu.enqueue_dma source(%dma_start3A_120 : memref<128x52xf32, #tpu.memory_space<hbm>>) target(%dma_start3A_118 : memref<128x52xf32, #tpu.memory_space<vmem>>) target_semaphore(%arg8 : memref<!tpu.dma_semaphore, #tpu.memory_space<semaphore_mem>>)
      } else {
      }
      %mul3A_71 = arith.constant 2 : i32
      %mul3A_72 = arith.muli %scan3A_40, %mul3A_71 : i32
      %add3A_73 = arith.constant 1 : i32
      %add3A_74 = arith.addi %mul3A_72, %add3A_73 : i32
      %dma_wait3A_75 = arith.constant 1 : i32
      %dma_wait3A_76 = arith.constant 0 : i32
      %dma_wait3A_77 = arith.constant 0 : i32
      %dma_wait3A_78 = tpu.memref_slice %arg6[%dma_wait3A_75, %dma_wait3A_76, %dma_wait3A_77] : memref<2x128x52xf32, #tpu.memory_space<vmem>> -> memref<1x128x52xf32, #tpu.memory_space<vmem>>
      %dma_wait3A_79 = tpu.memref_squeeze %dma_wait3A_78 : memref<1x128x52xf32, #tpu.memory_space<vmem>> -> memref<128x52xf32, #tpu.memory_space<vmem>>
      %dma_wait3A_80 = arith.constant 0 : i32
      %dma_wait3A_81 = arith.constant 1152 : i32
      %dma_wait3A_82 = tpu.memref_slice %arg2[%dma_wait3A_80, %dma_wait3A_81] : memref<16384x1204xf32, #tpu.memory_space<hbm>> -> memref<128x52xf32, #tpu.memory_space<hbm>>
      %dma_wait3A_83 = arith.constant 0 : i32
      %dma_wait3A_84 = arith.constant 0 : i32
      %dma_wait3A_85 = tpu.memref_slice %arg6[%dma_wait3A_75, %dma_wait3A_83, %dma_wait3A_84] : memref<2x128x52xf32, #tpu.memory_space<vmem>> -> memref<1x128x52xf32, #tpu.memory_space<vmem>>
      %dma_wait3A_86 = tpu.memref_squeeze %dma_wait3A_85 : memref<1x128x52xf32, #tpu.memory_space<vmem>> -> memref<128x52xf32, #tpu.memory_space<vmem>>
      %dma_wait3A_87 = arith.constant 0 : i32
      %dma_wait3A_88 = arith.constant 1152 : i32
      %dma_wait3A_89 = tpu.memref_slice %arg2[%dma_wait3A_87, %dma_wait3A_88] : memref<16384x1204xf32, #tpu.memory_space<hbm>> -> memref<128x52xf32, #tpu.memory_space<hbm>>
      tpu.wait_dma2 semaphore(%arg9 : memref<!tpu.dma_semaphore, #tpu.memory_space<semaphore_mem>>) src(%dma_wait3A_89 : memref<128x52xf32, #tpu.memory_space<hbm>>) dst(%dma_wait3A_86 : memref<128x52xf32, #tpu.memory_space<vmem>>)
      %scan3A_90 = arith.constant 0 : i32
      %scan3A_91 = arith.constant 128 : i32
      %scan3A_92 = arith.addi %scan3A_90, %scan3A_91 : i32
      %scan3A_93 = arith.constant 1 : i32
      %scan3A_94 = scf.for %scan3A_103 = %scan3A_90 to %scan3A_92 step %scan3A_93 iter_args(%scan3A_104 = %scan3A_64) -> (vector<16xf32>)  : i32 {
        %mul3A_105 = arith.constant 128 : i32
        %mul3A_106 = arith.muli %add3A_74, %mul3A_105 : i32
        %add3A_107 = arith.addi %mul3A_106, %scan3A_103 : i32
        %get3A = arith.index_cast %add3A_107 : i32 to index
        %get3A_108 = tpu.vector_load %arg5[%get3A] {strides = array<i32>} : memref<1040xi32, #tpu.memory_space<vmem>>, vector<16xi32>,
        %get3A_109 = vector.shape_cast %get3A_108 : vector<16xi32> to vector<16xi32>
        %slice3A = vector.extract_strided_slice %get3A_109 {offsets = [0], sizes = [1], strides = [1]} : vector<16xi32> to vector<1xi32>
        %squeeze3A = vector.extract %slice3A[0] : i32 from vector<1xi32>
        %eq3A = arith.constant 1203 : i32
        %eq3A_110 = arith.cmpi eq, %squeeze3A, %eq3A : i32
        %jit3A = arith.constant -3.000000e+38 : f32
        %jit3A_111 = arith.constant 0.847297847 : f32
        %select_n3A = arith.select %eq3A_110, %jit3A, %jit3A_111 : f32
        %broadcast_in_dim3A_112 = vector.broadcast %select_n3A : f32 to vector<16xf32>
        %convert_element_type3A_113 = arith.sitofp %squeeze3A : i32 to f32
        %broadcast_in_dim3A_114 = vector.broadcast %convert_element_type3A_113 : f32 to vector<16xf32>
        %add3A_115 = arith.constant 1.152000e+03 : f32
        %add3A_116 = vector.broadcast %add3A_115 : f32 to vector<16xf32>
        %add3A_117 = arith.addf %convert_element_type3A, %add3A_116 : vector<16xf32>
        %get3A_118 = arith.constant 1 : i32
        %get3A_119 = arith.index_cast %get3A_118 : i32 to index
        %get3A_120 = arith.index_cast %scan3A_103 : i32 to index
        %get3A_121 = arith.constant 0 : index
        %get3A_122 = tpu.vector_load %arg6[%get3A_119, %get3A_120, %get3A_121] {strides = array<i32>} : memref<2x128x52xf32, #tpu.memory_space<vmem>>, vector<1x1x16xf32>,
        %get3A_123 = vector.shape_cast %get3A_122 : vector<1x1x16xf32> to vector<16xf32>
        %abs3A = math.absf %get3A_123 : vector<16xf32>
        %neg3A = arith.constant 0.000000e+00 : f32
        %neg3A_124 = vector.broadcast %neg3A : f32 to vector<16xf32>
        %neg3A_125 = arith.subf %neg3A_124, %abs3A : vector<16xf32>
        %exp3A = math.exp %neg3A_125 : vector<16xf32>
        %mul3A_126 = arith.constant -0.00615147082 : f32
        %mul3A_127 = vector.broadcast %mul3A_126 : f32 to vector<16xf32>
        %mul3A_128 = arith.mulf %mul3A_127, %exp3A : vector<16xf32>
        %add3A_129 = arith.constant 0.0348497108 : f32
        %add3A_130 = vector.broadcast %add3A_129 : f32 to vector<16xf32>
        %add3A_131 = arith.addf %mul3A_128, %add3A_130 : vector<16xf32>
        %mul3A_132 = arith.mulf %add3A_131, %exp3A : vector<16xf32>
        %add3A_133 = arith.constant -0.0932520404 : f32
        %add3A_134 = vector.broadcast %add3A_133 : f32 to vector<16xf32>
        %add3A_135 = arith.addf %mul3A_132, %add3A_134 : vector<16xf32>
        %mul3A_136 = arith.mulf %add3A_135, %exp3A : vector<16xf32>
        %add3A_137 = arith.constant 0.165822759 : f32
        %add3A_138 = vector.broadcast %add3A_137 : f32 to vector<16xf32>
        %add3A_139 = arith.addf %mul3A_136, %add3A_138 : vector<16xf32>
        %mul3A_140 = arith.mulf %add3A_139, %exp3A : vector<16xf32>
        %add3A_141 = arith.constant -0.239826158 : f32
        %add3A_142 = vector.broadcast %add3A_141 : f32 to vector<16xf32>
        %add3A_143 = arith.addf %mul3A_140, %add3A_142 : vector<16xf32>
        %mul3A_144 = arith.mulf %add3A_143, %exp3A : vector<16xf32>
        %add3A_145 = arith.constant 0.331548631 : f32
        %add3A_146 = vector.broadcast %add3A_145 : f32 to vector<16xf32>
        %add3A_147 = arith.addf %mul3A_144, %add3A_146 : vector<16xf32>
        %mul3A_148 = arith.mulf %add3A_147, %exp3A : vector<16xf32>
        %add3A_149 = arith.constant -0.499838561 : f32
        %add3A_150 = vector.broadcast %add3A_149 : f32 to vector<16xf32>
        %add3A_151 = arith.addf %mul3A_148, %add3A_150 : vector<16xf32>
        %mul3A_152 = arith.mulf %add3A_151, %exp3A : vector<16xf32>
        %add3A_153 = arith.constant 0.999994277 : f32
        %add3A_154 = vector.broadcast %add3A_153 : f32 to vector<16xf32>
        %add3A_155 = arith.addf %mul3A_152, %add3A_154 : vector<16xf32>
        %mul3A_156 = arith.mulf %add3A_155, %exp3A : vector<16xf32>
        %add3A_157 = arith.constant 3.38696537E-8 : f32
        %add3A_158 = vector.broadcast %add3A_157 : f32 to vector<16xf32>
        %add3A_159 = arith.addf %mul3A_156, %add3A_158 : vector<16xf32>
        %max3A = arith.constant 0.000000e+00 : f32
        %max3A_160 = vector.broadcast %max3A : f32 to vector<16xf32>
        %max3A_161 = arith.maximumf %get3A_123, %max3A_160 : vector<16xf32>
        %add3A_162 = arith.addf %max3A_161, %add3A_159 : vector<16xf32>
        %ge3A = arith.cmpf oge, %get3A_123, %broadcast_in_dim3A_112 : vector<16xf32>
        %jit3A_163 = arith.constant 0.000000e+00 : f32
        %broadcast_in_dim3A_164 = vector.broadcast %jit3A_163 : f32 to vector<16xf32>
        %select_n3A_165 = arith.select %ge3A, %add3A_162, %broadcast_in_dim3A_164 : vector<16xi1>, vector<16xf32>
        %eq3A_166 = arith.cmpf oeq, %add3A_117, %broadcast_in_dim3A_114 : vector<16xf32>
        %sub3A = arith.subf %add3A_162, %get3A_123 : vector<16xf32>
        %select_n3A_167 = arith.select %eq3A_166, %sub3A, %select_n3A_165 : vector<16xi1>, vector<16xf32>
        %add3A_168 = arith.addf %scan3A_104, %select_n3A_167 : vector<16xf32>
        %add3A_169 = arith.constant 1.168000e+03 : f32
        %add3A_170 = vector.broadcast %add3A_169 : f32 to vector<16xf32>
        %add3A_171 = arith.addf %convert_element_type3A, %add3A_170 : vector<16xf32>
        %get3A_172 = arith.constant 1 : i32
        %get3A_173 = arith.index_cast %get3A_172 : i32 to index
        %get3A_174 = arith.index_cast %scan3A_103 : i32 to index
        %get3A_175 = arith.constant 16 : index
        %get3A_176 = tpu.vector_load %arg6[%get3A_173, %get3A_174, %get3A_175] {strides = array<i32>} : memref<2x128x52xf32, #tpu.memory_space<vmem>>, vector<1x1x16xf32>,
        %get3A_177 = vector.shape_cast %get3A_176 : vector<1x1x16xf32> to vector<16xf32>
        %abs3A_178 = math.absf %get3A_177 : vector<16xf32>
        %neg3A_179 = arith.constant 0.000000e+00 : f32
        %neg3A_180 = vector.broadcast %neg3A_179 : f32 to vector<16xf32>
        %neg3A_181 = arith.subf %neg3A_180, %abs3A_178 : vector<16xf32>
        %exp3A_182 = math.exp %neg3A_181 : vector<16xf32>
        %mul3A_183 = arith.constant -0.00615147082 : f32
        %mul3A_184 = vector.broadcast %mul3A_183 : f32 to vector<16xf32>
        %mul3A_185 = arith.mulf %mul3A_184, %exp3A_182 : vector<16xf32>
        %add3A_186 = arith.constant 0.0348497108 : f32
        %add3A_187 = vector.broadcast %add3A_186 : f32 to vector<16xf32>
        %add3A_188 = arith.addf %mul3A_185, %add3A_187 : vector<16xf32>
        %mul3A_189 = arith.mulf %add3A_188, %exp3A_182 : vector<16xf32>
        %add3A_190 = arith.constant -0.0932520404 : f32
        %add3A_191 = vector.broadcast %add3A_190 : f32 to vector<16xf32>
        %add3A_192 = arith.addf %mul3A_189, %add3A_191 : vector<16xf32>
        %mul3A_193 = arith.mulf %add3A_192, %exp3A_182 : vector<16xf32>
        %add3A_194 = arith.constant 0.165822759 : f32
        %add3A_195 = vector.broadcast %add3A_194 : f32 to vector<16xf32>
        %add3A_196 = arith.addf %mul3A_193, %add3A_195 : vector<16xf32>
        %mul3A_197 = arith.mulf %add3A_196, %exp3A_182 : vector<16xf32>
        %add3A_198 = arith.constant -0.239826158 : f32
        %add3A_199 = vector.broadcast %add3A_198 : f32 to vector<16xf32>
        %add3A_200 = arith.addf %mul3A_197, %add3A_199 : vector<16xf32>
        %mul3A_201 = arith.mulf %add3A_200, %exp3A_182 : vector<16xf32>
        %add3A_202 = arith.constant 0.331548631 : f32
        %add3A_203 = vector.broadcast %add3A_202 : f32 to vector<16xf32>
        %add3A_204 = arith.addf %mul3A_201, %add3A_203 : vector<16xf32>
        %mul3A_205 = arith.mulf %add3A_204, %exp3A_182 : vector<16xf32>
        %add3A_206 = arith.constant -0.499838561 : f32
        %add3A_207 = vector.broadcast %add3A_206 : f32 to vector<16xf32>
        %add3A_208 = arith.addf %mul3A_205, %add3A_207 : vector<16xf32>
        %mul3A_209 = arith.mulf %add3A_208, %exp3A_182 : vector<16xf32>
        %add3A_210 = arith.constant 0.999994277 : f32
        %add3A_211 = vector.broadcast %add3A_210 : f32 to vector<16xf32>
        %add3A_212 = arith.addf %mul3A_209, %add3A_211 : vector<16xf32>
        %mul3A_213 = arith.mulf %add3A_212, %exp3A_182 : vector<16xf32>
        %add3A_214 = arith.constant 3.38696537E-8 : f32
        %add3A_215 = vector.broadcast %add3A_214 : f32 to vector<16xf32>
        %add3A_216 = arith.addf %mul3A_213, %add3A_215 : vector<16xf32>
        %max3A_217 = arith.constant 0.000000e+00 : f32
        %max3A_218 = vector.broadcast %max3A_217 : f32 to vector<16xf32>
        %max3A_219 = arith.maximumf %get3A_177, %max3A_218 : vector<16xf32>
        %add3A_220 = arith.addf %max3A_219, %add3A_216 : vector<16xf32>
        %ge3A_221 = arith.cmpf oge, %get3A_177, %broadcast_in_dim3A_112 : vector<16xf32>
        %jit3A_222 = arith.constant 0.000000e+00 : f32
        %broadcast_in_dim3A_223 = vector.broadcast %jit3A_222 : f32 to vector<16xf32>
        %select_n3A_224 = arith.select %ge3A_221, %add3A_220, %broadcast_in_dim3A_223 : vector<16xi1>, vector<16xf32>
        %eq3A_225 = arith.cmpf oeq, %add3A_171, %broadcast_in_dim3A_114 : vector<16xf32>
        %sub3A_226 = arith.subf %add3A_220, %get3A_177 : vector<16xf32>
        %select_n3A_227 = arith.select %eq3A_225, %sub3A_226, %select_n3A_224 : vector<16xi1>, vector<16xf32>
        %add3A_228 = arith.addf %add3A_168, %select_n3A_227 : vector<16xf32>
        %add3A_229 = arith.constant 1.184000e+03 : f32
        %add3A_230 = vector.broadcast %add3A_229 : f32 to vector<16xf32>
        %add3A_231 = arith.addf %convert_element_type3A, %add3A_230 : vector<16xf32>
        %get3A_232 = arith.constant 1 : i32
        %get3A_233 = arith.index_cast %get3A_232 : i32 to index
        %get3A_234 = arith.index_cast %scan3A_103 : i32 to index
        %get3A_235 = arith.constant 32 : index
        %get3A_236 = tpu.vector_load %arg6[%get3A_233, %get3A_234, %get3A_235] {strides = array<i32>} : memref<2x128x52xf32, #tpu.memory_space<vmem>>, vector<1x1x16xf32>,
        %get3A_237 = vector.shape_cast %get3A_236 : vector<1x1x16xf32> to vector<16xf32>
        %abs3A_238 = math.absf %get3A_237 : vector<16xf32>
        %neg3A_239 = arith.constant 0.000000e+00 : f32
        %neg3A_240 = vector.broadcast %neg3A_239 : f32 to vector<16xf32>
        %neg3A_241 = arith.subf %neg3A_240, %abs3A_238 : vector<16xf32>
        %exp3A_242 = math.exp %neg3A_241 : vector<16xf32>
        %mul3A_243 = arith.constant -0.00615147082 : f32
        %mul3A_244 = vector.broadcast %mul3A_243 : f32 to vector<16xf32>
        %mul3A_245 = arith.mulf %mul3A_244, %exp3A_242 : vector<16xf32>
        %add3A_246 = arith.constant 0.0348497108 : f32
        %add3A_247 = vector.broadcast %add3A_246 : f32 to vector<16xf32>
        %add3A_248 = arith.addf %mul3A_245, %add3A_247 : vector<16xf32>
        %mul3A_249 = arith.mulf %add3A_248, %exp3A_242 : vector<16xf32>
        %add3A_250 = arith.constant -0.0932520404 : f32
        %add3A_251 = vector.broadcast %add3A_250 : f32 to vector<16xf32>
        %add3A_252 = arith.addf %mul3A_249, %add3A_251 : vector<16xf32>
        %mul3A_253 = arith.mulf %add3A_252, %exp3A_242 : vector<16xf32>
        %add3A_254 = arith.constant 0.165822759 : f32
        %add3A_255 = vector.broadcast %add3A_254 : f32 to vector<16xf32>
        %add3A_256 = arith.addf %mul3A_253, %add3A_255 : vector<16xf32>
        %mul3A_257 = arith.mulf %add3A_256, %exp3A_242 : vector<16xf32>
        %add3A_258 = arith.constant -0.239826158 : f32
        %add3A_259 = vector.broadcast %add3A_258 : f32 to vector<16xf32>
        %add3A_260 = arith.addf %mul3A_257, %add3A_259 : vector<16xf32>
        %mul3A_261 = arith.mulf %add3A_260, %exp3A_242 : vector<16xf32>
        %add3A_262 = arith.constant 0.331548631 : f32
        %add3A_263 = vector.broadcast %add3A_262 : f32 to vector<16xf32>
        %add3A_264 = arith.addf %mul3A_261, %add3A_263 : vector<16xf32>
        %mul3A_265 = arith.mulf %add3A_264, %exp3A_242 : vector<16xf32>
        %add3A_266 = arith.constant -0.499838561 : f32
        %add3A_267 = vector.broadcast %add3A_266 : f32 to vector<16xf32>
        %add3A_268 = arith.addf %mul3A_265, %add3A_267 : vector<16xf32>
        %mul3A_269 = arith.mulf %add3A_268, %exp3A_242 : vector<16xf32>
        %add3A_270 = arith.constant 0.999994277 : f32
        %add3A_271 = vector.broadcast %add3A_270 : f32 to vector<16xf32>
        %add3A_272 = arith.addf %mul3A_269, %add3A_271 : vector<16xf32>
        %mul3A_273 = arith.mulf %add3A_272, %exp3A_242 : vector<16xf32>
        %add3A_274 = arith.constant 3.38696537E-8 : f32
        %add3A_275 = vector.broadcast %add3A_274 : f32 to vector<16xf32>
        %add3A_276 = arith.addf %mul3A_273, %add3A_275 : vector<16xf32>
        %max3A_277 = arith.constant 0.000000e+00 : f32
        %max3A_278 = vector.broadcast %max3A_277 : f32 to vector<16xf32>
        %max3A_279 = arith.maximumf %get3A_237, %max3A_278 : vector<16xf32>
        %add3A_280 = arith.addf %max3A_279, %add3A_276 : vector<16xf32>
        %ge3A_281 = arith.cmpf oge, %get3A_237, %broadcast_in_dim3A_112 : vector<16xf32>
        %jit3A_282 = arith.constant 0.000000e+00 : f32
        %broadcast_in_dim3A_283 = vector.broadcast %jit3A_282 : f32 to vector<16xf32>
        %select_n3A_284 = arith.select %ge3A_281, %add3A_280, %broadcast_in_dim3A_283 : vector<16xi1>, vector<16xf32>
        %eq3A_285 = arith.cmpf oeq, %add3A_231, %broadcast_in_dim3A_114 : vector<16xf32>
        %sub3A_286 = arith.subf %add3A_280, %get3A_237 : vector<16xf32>
        %select_n3A_287 = arith.select %eq3A_285, %sub3A_286, %select_n3A_284 : vector<16xi1>, vector<16xf32>
        %add3A_288 = arith.addf %add3A_228, %select_n3A_287 : vector<16xf32>
        %add3A_289 = arith.constant 1.188000e+03 : f32
        %add3A_290 = vector.broadcast %add3A_289 : f32 to vector<16xf32>
        %add3A_291 = arith.addf %convert_element_type3A, %add3A_290 : vector<16xf32>
        %get3A_292 = arith.constant 1 : i32
        %get3A_293 = arith.index_cast %get3A_292 : i32 to index
        %get3A_294 = arith.index_cast %scan3A_103 : i32 to index
        %get3A_295 = arith.constant 36 : index
        %get3A_296 = tpu.vector_load %arg6[%get3A_293, %get3A_294, %get3A_295] {strides = array<i32>} : memref<2x128x52xf32, #tpu.memory_space<vmem>>, vector<1x1x16xf32>,
        %get3A_297 = vector.shape_cast %get3A_296 : vector<1x1x16xf32> to vector<16xf32>
        %abs3A_298 = math.absf %get3A_297 : vector<16xf32>
        %neg3A_299 = arith.constant 0.000000e+00 : f32
        %neg3A_300 = vector.broadcast %neg3A_299 : f32 to vector<16xf32>
        %neg3A_301 = arith.subf %neg3A_300, %abs3A_298 : vector<16xf32>
        %exp3A_302 = math.exp %neg3A_301 : vector<16xf32>
        %mul3A_303 = arith.constant -0.00615147082 : f32
        %mul3A_304 = vector.broadcast %mul3A_303 : f32 to vector<16xf32>
        %mul3A_305 = arith.mulf %mul3A_304, %exp3A_302 : vector<16xf32>
        %add3A_306 = arith.constant 0.0348497108 : f32
        %add3A_307 = vector.broadcast %add3A_306 : f32 to vector<16xf32>
        %add3A_308 = arith.addf %mul3A_305, %add3A_307 : vector<16xf32>
        %mul3A_309 = arith.mulf %add3A_308, %exp3A_302 : vector<16xf32>
        %add3A_310 = arith.constant -0.0932520404 : f32
        %add3A_311 = vector.broadcast %add3A_310 : f32 to vector<16xf32>
        %add3A_312 = arith.addf %mul3A_309, %add3A_311 : vector<16xf32>
        %mul3A_313 = arith.mulf %add3A_312, %exp3A_302 : vector<16xf32>
        %add3A_314 = arith.constant 0.165822759 : f32
        %add3A_315 = vector.broadcast %add3A_314 : f32 to vector<16xf32>
        %add3A_316 = arith.addf %mul3A_313, %add3A_315 : vector<16xf32>
        %mul3A_317 = arith.mulf %add3A_316, %exp3A_302 : vector<16xf32>
        %add3A_318 = arith.constant -0.239826158 : f32
        %add3A_319 = vector.broadcast %add3A_318 : f32 to vector<16xf32>
        %add3A_320 = arith.addf %mul3A_317, %add3A_319 : vector<16xf32>
        %mul3A_321 = arith.mulf %add3A_320, %exp3A_302 : vector<16xf32>
        %add3A_322 = arith.constant 0.331548631 : f32
        %add3A_323 = vector.broadcast %add3A_322 : f32 to vector<16xf32>
        %add3A_324 = arith.addf %mul3A_321, %add3A_323 : vector<16xf32>
        %mul3A_325 = arith.mulf %add3A_324, %exp3A_302 : vector<16xf32>
        %add3A_326 = arith.constant -0.499838561 : f32
        %add3A_327 = vector.broadcast %add3A_326 : f32 to vector<16xf32>
        %add3A_328 = arith.addf %mul3A_325, %add3A_327 : vector<16xf32>
        %mul3A_329 = arith.mulf %add3A_328, %exp3A_302 : vector<16xf32>
        %add3A_330 = arith.constant 0.999994277 : f32
        %add3A_331 = vector.broadcast %add3A_330 : f32 to vector<16xf32>
        %add3A_332 = arith.addf %mul3A_329, %add3A_331 : vector<16xf32>
        %mul3A_333 = arith.mulf %add3A_332, %exp3A_302 : vector<16xf32>
        %add3A_334 = arith.constant 3.38696537E-8 : f32
        %add3A_335 = vector.broadcast %add3A_334 : f32 to vector<16xf32>
        %add3A_336 = arith.addf %mul3A_333, %add3A_335 : vector<16xf32>
        %max3A_337 = arith.constant 0.000000e+00 : f32
        %max3A_338 = vector.broadcast %max3A_337 : f32 to vector<16xf32>
        %max3A_339 = arith.maximumf %get3A_297, %max3A_338 : vector<16xf32>
        %add3A_340 = arith.addf %max3A_339, %add3A_336 : vector<16xf32>
        %ge3A_341 = arith.cmpf oge, %get3A_297, %broadcast_in_dim3A_112 : vector<16xf32>
        %jit3A_342 = arith.constant 0.000000e+00 : f32
        %broadcast_in_dim3A_343 = vector.broadcast %jit3A_342 : f32 to vector<16xf32>
        %select_n3A_344 = arith.select %ge3A_341, %add3A_340, %broadcast_in_dim3A_343 : vector<16xi1>, vector<16xf32>
        %eq3A_345 = arith.cmpf oeq, %add3A_291, %broadcast_in_dim3A_114 : vector<16xf32>
        %sub3A_346 = arith.subf %add3A_340, %get3A_297 : vector<16xf32>
        %select_n3A_347 = arith.select %eq3A_345, %sub3A_346, %select_n3A_344 : vector<16xi1>, vector<16xf32>
        %ge3A_348 = arith.constant 1.200000e+03 : f32
        %ge3A_349 = vector.broadcast %ge3A_348 : f32 to vector<16xf32>
        %ge3A_350 = arith.cmpf oge, %add3A_291, %ge3A_349 : vector<16xf32>
        %jit3A_351 = arith.constant 0.000000e+00 : f32
        %broadcast_in_dim3A_352 = vector.broadcast %jit3A_351 : f32 to vector<16xf32>
        %select_n3A_353 = arith.select %ge3A_350, %select_n3A_347, %broadcast_in_dim3A_352 : vector<16xi1>, vector<16xf32>
        %add3A_354 = arith.addf %add3A_288, %select_n3A_353 : vector<16xf32>
        scf.yield %add3A_354 : vector<16xf32>
      }
      %scan3A_95 = arith.constant 128 : i32
      %add3A_96 = arith.constant 2 : i32
      %add3A_97 = arith.addi %add3A_74, %add3A_96 : i32
      %lt3A_98 = arith.constant 8 : i32
      %lt3A_99 = arith.cmpi slt, %add3A_97, %lt3A_98 : i32
      %convert_element_type3A_100 = arith.extui %lt3A_99 : i1 to i32
      %cond3A_101 = arith.constant 0 : i32
      %cond3A_102 = arith.cmpi ne, %convert_element_type3A_100, %cond3A_101 : i32
      scf.if %cond3A_102 {
        %add3A_103 = arith.constant 2 : i32
        %add3A_104 = arith.addi %add3A_74, %add3A_103 : i32
        %mul3A_105 = arith.constant 128 : i32
        %mul3A_106 = arith.muli %add3A_104, %mul3A_105 : i32
        %add3A_107 = arith.addi %mul3A_0, %mul3A_106 : i32
        %dma_start3A_108 = arith.constant 1 : i32
        %dma_start3A_109 = arith.constant 0 : i32
        %dma_start3A_110 = arith.constant 0 : i32
        %dma_start3A_111 = tpu.memref_slice %arg6[%dma_start3A_108, %dma_start3A_109, %dma_start3A_110] : memref<2x128x52xf32, #tpu.memory_space<vmem>> -> memref<1x128x52xf32, #tpu.memory_space<vmem>>
        %dma_start3A_112 = tpu.memref_squeeze %dma_start3A_111 : memref<1x128x52xf32, #tpu.memory_space<vmem>> -> memref<128x52xf32, #tpu.memory_space<vmem>>
        %dma_start3A_113 = arith.constant 1152 : i32
        %dma_start3A_114 = tpu.memref_slice %arg2[%add3A_107, %dma_start3A_113] : memref<16384x1204xf32, #tpu.memory_space<hbm>> -> memref<128x52xf32, #tpu.memory_space<hbm>>
        %dma_start3A_115 = arith.constant 0 : i32
        %dma_start3A_116 = arith.constant 0 : i32
        %dma_start3A_117 = tpu.memref_slice %arg6[%dma_start3A_108, %dma_start3A_115, %dma_start3A_116] : memref<2x128x52xf32, #tpu.memory_space<vmem>> -> memref<1x128x52xf32, #tpu.memory_space<vmem>>
        %dma_start3A_118 = tpu.memref_squeeze %dma_start3A_117 : memref<1x128x52xf32, #tpu.memory_space<vmem>> -> memref<128x52xf32, #tpu.memory_space<vmem>>
        %dma_start3A_119 = arith.constant 1152 : i32
        %dma_start3A_120 = tpu.memref_slice %arg2[%add3A_107, %dma_start3A_119] : memref<16384x1204xf32, #tpu.memory_space<hbm>> -> memref<128x52xf32, #tpu.memory_space<hbm>>
        tpu.enqueue_dma source(%dma_start3A_120 : memref<128x52xf32, #tpu.memory_space<hbm>>) target(%dma_start3A_118 : memref<128x52xf32, #tpu.memory_space<vmem>>) target_semaphore(%arg9 : memref<!tpu.dma_semaphore, #tpu.memory_space<semaphore_mem>>)
      } else {
      }
      scf.yield %scan3A_94 : vector<16xf32>
    }
    %scan3A_34 = arith.constant 4 : i32
    %swap3A = arith.constant 0 : index
    %swap3A_35 = tpu.vector_load %arg7[%swap3A] {strides = array<i32>} : memref<16xf32, #tpu.memory_space<vmem>>, vector<16xf32>,
    %swap3A_36 = vector.shape_cast %swap3A_35 : vector<16xf32> to vector<16xf32>
    %swap3A_37 = vector.shape_cast %scan3A_33 : vector<16xf32> to vector<16xf32>
    tpu.vector_store %arg7[%swap3A], %swap3A_37 {strides = array<i32>} : memref<16xf32, #tpu.memory_space<vmem>>, vector<16xf32>,
    %mul3A_38 = arith.constant 16 : i32
    %mul3A_39 = arith.muli %arg1, %mul3A_38 : i32
    "tpu.region"() ({
      %run_scoped3A = tpu.sem_alloc : memref<!tpu.dma_semaphore, #tpu.memory_space<semaphore_mem>>
      %dma_start3A_40 = tpu.memref_slice %arg4[%mul3A_39] : memref<256xf32, #tpu.memory_space<hbm>> -> memref<16xf32, #tpu.memory_space<hbm>>
      %dma_start3A_41 = tpu.memref_slice %arg4[%mul3A_39] : memref<256xf32, #tpu.memory_space<hbm>> -> memref<16xf32, #tpu.memory_space<hbm>>
      tpu.enqueue_dma source(%arg7 : memref<16xf32, #tpu.memory_space<vmem>>) target(%dma_start3A_41 : memref<16xf32, #tpu.memory_space<hbm>>) target_semaphore(%run_scoped3A : memref<!tpu.dma_semaphore, #tpu.memory_space<semaphore_mem>>)
      %dma_wait3A = tpu.memref_slice %arg4[%mul3A_39] : memref<256xf32, #tpu.memory_space<hbm>> -> memref<16xf32, #tpu.memory_space<hbm>>
      %dma_wait3A_42 = tpu.memref_slice %arg4[%mul3A_39] : memref<256xf32, #tpu.memory_space<hbm>> -> memref<16xf32, #tpu.memory_space<hbm>>
      tpu.wait_dma2 semaphore(%run_scoped3A : memref<!tpu.dma_semaphore, #tpu.memory_space<semaphore_mem>>) src(%arg7 : memref<16xf32, #tpu.memory_space<vmem>>) dst(%dma_wait3A_42 : memref<16xf32, #tpu.memory_space<hbm>>)
      tpu.yield
    }) : () -> ()
    return
  }
}

module attributes {stable_mosaic.version = 14 : i64} {
  func.func @_tc_kernel(%arg0: i32, %arg1: i32, %arg2: memref<128x128xi32, #tpu.memory_space<vmem>>, %arg3: memref<1024x1152xf32, #tpu.memory_space<vmem>>, %arg4: memref<1024x1xi32, #tpu.memory_space<vmem>>, %arg5: memref<1x1xf32, #tpu.memory_space<vmem>>, %arg6: memref<2xi32, #tpu.memory_space<smem>>, %arg7: memref<1024x1024xf32, #tpu.memory_space<vmem>>) attributes {dimension_semantics = [#tpu.dimension_semantics<arbitrary>, #tpu.dimension_semantics<arbitrary>], iteration_bounds = array<i64: 16, 1>, scalar_prefetch = 0 : i64, scratch_operands = 2 : i64, tpu.core_type = #tpu.core_type<tc>, window_params = [{pipeline_mode = #tpu.pipeline_mode<synchronous>, transform_indices = @transform_0, window_bounds = array<i64: 128, 128>}, {transform_indices = @transform_1, window_bounds = array<i64: 1024, 1152>}, {transform_indices = @transform_2, window_bounds = array<i64: 1024, 1>}, {pipeline_mode = #tpu.pipeline_mode<synchronous>, transform_indices = @transform_3, window_bounds = array<i64: 1, 1>}]} {
    %eq3A = arith.constant 0 : i32
    %eq3A_0 = arith.cmpi eq, %arg0, %eq3A : i32
    %eq3A_1 = arith.constant 0 : i32
    %eq3A_2 = arith.cmpi eq, %arg1, %eq3A_1 : i32
    %and3A = arith.andi %eq3A_0, %eq3A_2 : i1
    %convert_element_type3A = arith.extui %and3A : i1 to i32
    %cond3A = arith.constant 0 : i32
    %cond3A_3 = arith.cmpi ne, %convert_element_type3A, %cond3A : i32
    scf.if %cond3A_3 {
      %swap3A = arith.constant 0 : i32
      %swap3A_96 = arith.constant 0 : index
      %swap3A_97 = memref.load %arg6[%swap3A_96] : memref<2xi32, #tpu.memory_space<smem>>
      memref.store %swap3A, %arg6[%swap3A_96] : memref<2xi32, #tpu.memory_space<smem>>
      %get3A_98 = arith.constant 0 : index
      %get3A_99 = arith.constant 0 : index
      %get3A_100 = vector.load %arg2[%get3A_98, %get3A_99] : memref<128x128xi32, #tpu.memory_space<vmem>>, vector<128x128xi32>
      %eq3A_101 = arith.constant 1203 : i32
      %eq3A_102 = vector.broadcast %eq3A_101 : i32 to vector<128x128xi32>
      %eq3A_103 = arith.cmpi eq, %get3A_100, %eq3A_102 : vector<128x128xi32>
      %convert_element_type3A_104 = arith.extui %eq3A_103 : vector<128x128xi1> to vector<128x128xi32>
      %reduce_sum3A_105 = vector.shape_cast %convert_element_type3A_104 : vector<128x128xi32> to vector<1x128x128xi32>
      %reduce_sum3A_106 = arith.constant dense<0> : vector<1xi32>
      %reduce_sum3A_107 = vector.multi_reduction <add>, %reduce_sum3A_105, %reduce_sum3A_106 [1, 2] : vector<1x128x128xi32> to vector<1xi32>
      %reduce_sum3A_108 = vector.shape_cast %reduce_sum3A_107 : vector<1xi32> to vector<1x1x1xi32>
      %reduce_sum3A_109 = vector.extract %reduce_sum3A_108[0, 0, 0] : i32 from vector<1x1x1xi32>
      %swap3A_110 = arith.constant 1 : index
      %swap3A_111 = memref.load %arg6[%swap3A_110] : memref<2xi32, #tpu.memory_space<smem>>
      memref.store %reduce_sum3A_109, %arg6[%swap3A_110] : memref<2xi32, #tpu.memory_space<smem>>
      %iota3A_112 = tpu.iota {dimensions = array<i32: 0>} : vector<1024x1024xi32>
      %iota3A_113 = tpu.iota {dimensions = array<i32: 1>} : vector<1024x1024xi32>
      %lt3A_114 = arith.cmpi slt, %iota3A_113, %iota3A_112 : vector<1024x1024xi32>
      %convert_element_type3A_115 = arith.extui %lt3A_114 : vector<1024x1024xi1> to vector<1024x1024xi32>
      %convert_element_type3A_116 = arith.sitofp %convert_element_type3A_115 : vector<1024x1024xi32> to vector<1024x1024xf32>
      %swap3A_117 = arith.constant 0 : index
      %swap3A_118 = arith.constant 0 : index
      %swap3A_119 = vector.load %arg7[%swap3A_117, %swap3A_118] : memref<1024x1024xf32, #tpu.memory_space<vmem>>, vector<1024x1024xf32>
      tpu.vector_store %arg7[%swap3A_117, %swap3A_118], %convert_element_type3A_116 {strides = array<i32>} : memref<1024x1024xf32, #tpu.memory_space<vmem>>, vector<1024x1024xf32>,
    } else {
    }
    %get3A = arith.constant 0 : index
    %get3A_4 = arith.constant 0 : index
    %get3A_5 = vector.load %arg4[%get3A, %get3A_4] : memref<1024x1xi32, #tpu.memory_space<vmem>>, vector<1024x1xi32>
    %eq3A_6 = arith.constant 1203 : i32
    %eq3A_7 = vector.broadcast %eq3A_6 : i32 to vector<1024x1xi32>
    %eq3A_8 = arith.cmpi eq, %get3A_5, %eq3A_7 : vector<1024x1xi32>
    %convert_element_type3A_9 = arith.extui %eq3A_8 : vector<1024x1xi1> to vector<1024x1xi32>
    %convert_element_type3A_10 = arith.sitofp %convert_element_type3A_9 : vector<1024x1xi32> to vector<1024x1xf32>
    %get3A_11 = arith.constant 0 : index
    %get3A_12 = memref.load %arg6[%get3A_11] : memref<2xi32, #tpu.memory_space<smem>>
    %get3A_13 = arith.constant 1 : index
    %get3A_14 = memref.load %arg6[%get3A_13] : memref<2xi32, #tpu.memory_space<smem>>
    %eq3A_15 = arith.constant 0 : i32
    %eq3A_16 = arith.cmpi eq, %arg1, %eq3A_15 : i32
    %convert_element_type3A_17 = arith.extui %eq3A_16 : i1 to i32
    %cond3A_18 = arith.constant 0 : i32
    %cond3A_19 = arith.cmpi ne, %convert_element_type3A_17, %cond3A_18 : i32
    scf.if %cond3A_19 {
      %convert_element_type3A_96 = arith.fptosi %convert_element_type3A_10 : vector<1024x1xf32> to vector<1024x1xi32>
      %reduce_sum3A_97 = vector.shape_cast %convert_element_type3A_96 : vector<1024x1xi32> to vector<1x1024x1xi32>
      %reduce_sum3A_98 = arith.constant dense<0> : vector<1xi32>
      %reduce_sum3A_99 = vector.multi_reduction <add>, %reduce_sum3A_97, %reduce_sum3A_98 [1, 2] : vector<1x1024x1xi32> to vector<1xi32>
      %reduce_sum3A_100 = vector.shape_cast %reduce_sum3A_99 : vector<1xi32> to vector<1x1x1xi32>
      %reduce_sum3A_101 = vector.extract %reduce_sum3A_100[0, 0, 0] : i32 from vector<1x1x1xi32>
      %add3A_102 = arith.addi %get3A_12, %reduce_sum3A_101 : i32
      %swap3A = arith.constant 0 : index
      %swap3A_103 = memref.load %arg6[%swap3A] : memref<2xi32, #tpu.memory_space<smem>>
      memref.store %add3A_102, %arg6[%swap3A] : memref<2xi32, #tpu.memory_space<smem>>
    } else {
    }
    %get3A_20 = arith.constant 0 : index
    %get3A_21 = arith.constant 0 : index
    %get3A_22 = vector.load %arg7[%get3A_20, %get3A_21] : memref<1024x1024xf32, #tpu.memory_space<vmem>>, vector<1024x1024xf32>
    %dot_general3A = arith.constant dense<0.000000e+00> : vector<1024x1xf32>
    %dot_general3A_23 = tpu.matmul %get3A_22, %convert_element_type3A_10, %dot_general3A {dimension_numbers = #tpu.dot_dimension_numbers<[1], [0], [0], [1], [0, 0, 1, 1], [], []>, transpose_lhs_hint = false} : vector<1024x1024xf32>, vector<1024x1xf32>, vector<1024x1xf32> -> vector<1024x1xf32>
    %convert_element_type3A_24 = arith.sitofp %get3A_12 : i32 to f32
    %add3A = vector.broadcast %convert_element_type3A_24 : f32 to vector<1024x1xf32>
    %add3A_25 = arith.addf %dot_general3A_23, %add3A : vector<1024x1xf32>
    %convert_element_type3A_26 = arith.sitofp %get3A_14 : i32 to f32
    %add3A_27 = arith.constant 5.000000e-01 : f32
    %add3A_28 = arith.addf %convert_element_type3A_26, %add3A_27 : f32
    %mul3A = arith.constant 0.00999999977 : f32
    %mul3A_29 = arith.mulf %add3A_28, %mul3A : f32
    %floor3A = math.floor %mul3A_29 : f32
    %convert_element_type3A_30 = arith.sitofp %get3A_14 : i32 to f32
    %add3A_31 = arith.constant 5.000000e-01 : f32
    %add3A_32 = arith.addf %convert_element_type3A_30, %add3A_31 : f32
    %mul3A_33 = arith.constant 1.000000e-01 : f32
    %mul3A_34 = arith.mulf %add3A_32, %mul3A_33 : f32
    %floor3A_35 = math.floor %mul3A_34 : f32
    %lt3A = vector.broadcast %floor3A : f32 to vector<1024x1xf32>
    %lt3A_36 = arith.cmpf olt, %add3A_25, %lt3A : vector<1024x1xf32>
    %lt3A_37 = vector.broadcast %floor3A_35 : f32 to vector<1024x1xf32>
    %lt3A_38 = arith.cmpf olt, %add3A_25, %lt3A_37 : vector<1024x1xf32>
    %jit3A = arith.constant 3.370000e+02 : f32
    %jit3A_39 = arith.constant 7.980000e+02 : f32
    %broadcast_in_dim3A = vector.broadcast %jit3A : f32 to vector<1024x1xf32>
    %broadcast_in_dim3A_40 = vector.broadcast %jit3A_39 : f32 to vector<1024x1xf32>
    %select_n3A = arith.select %lt3A_38, %broadcast_in_dim3A, %broadcast_in_dim3A_40 : vector<1024x1xi1>, vector<1024x1xf32>
    %jit3A_41 = arith.constant 0.000000e+00 : f32
    %broadcast_in_dim3A_42 = vector.broadcast %jit3A_41 : f32 to vector<1024x1xf32>
    %select_n3A_43 = arith.select %lt3A_36, %broadcast_in_dim3A_42, %select_n3A : vector<1024x1xi1>, vector<1024x1xf32>
    %get3A_44 = arith.constant 0 : index
    %get3A_45 = arith.constant 0 : index
    %get3A_46 = vector.load %arg3[%get3A_44, %get3A_45] : memref<1024x1152xf32, #tpu.memory_space<vmem>>, vector<1024x1152xf32>
    %iota3A = tpu.iota {dimensions = array<i32: 1>} : vector<1x1152xi32>
    %mul3A_47 = arith.constant 1152 : i32
    %mul3A_48 = arith.muli %arg1, %mul3A_47 : i32
    %add3A_49 = vector.broadcast %mul3A_48 : i32 to vector<1x1152xi32>
    %add3A_50 = arith.addi %iota3A, %add3A_49 : vector<1x1152xi32>
    %convert_element_type3A_51 = arith.sitofp %add3A_50 : vector<1x1152xi32> to vector<1x1152xf32>
    %eq3A_52 = vector.broadcast %add3A_50 : vector<1x1152xi32> to vector<1024x1152xi32>
    %eq3A_53 = vector.broadcast %get3A_5 : vector<1024x1xi32> to vector<1024x1152xi32>
    %eq3A_54 = arith.cmpi eq, %eq3A_52, %eq3A_53 : vector<1024x1152xi32>
    %mul3A_55 = arith.constant 1.44269502 : f32
    %mul3A_56 = vector.broadcast %mul3A_55 : f32 to vector<1024x1152xf32>
    %mul3A_57 = arith.mulf %get3A_46, %mul3A_56 : vector<1024x1152xf32>
    %exp23A = math.exp2 %mul3A_57 : vector<1024x1152xf32>
    %add3A_58 = arith.constant 1.000000e+00 : f32
    %add3A_59 = vector.broadcast %add3A_58 : f32 to vector<1024x1152xf32>
    %add3A_60 = arith.addf %add3A_59, %exp23A : vector<1024x1152xf32>
    %log3A = math.log %add3A_60 : vector<1024x1152xf32>
    %log3A_61 = arith.constant 2.000000e+00 : f32
    %log3A_62 = math.log %log3A_61 : f32
    %div3A = vector.broadcast %log3A_62 : f32 to vector<1024x1152xf32>
    %div3A_63 = arith.divf %log3A, %div3A : vector<1024x1152xf32>
    %broadcast_in_dim3A_64 = vector.shape_cast %eq3A_8 : vector<1024x1xi1> to vector<1024x1xi1>
    %broadcast_in_dim3A_65 = vector.broadcast %broadcast_in_dim3A_64 : vector<1024x1xi1> to vector<1024x1152xi1>
    %broadcast_in_dim3A_66 = vector.shape_cast %convert_element_type3A_51 : vector<1x1152xf32> to vector<1x1152xf32>
    %broadcast_in_dim3A_67 = vector.broadcast %broadcast_in_dim3A_66 : vector<1x1152xf32> to vector<1024x1152xf32>
    %select_n3A_68 = arith.select %broadcast_in_dim3A_65, %broadcast_in_dim3A_67, %get3A_46 : vector<1024x1152xi1>, vector<1024x1152xf32>
    %jit3A_69 = arith.constant 0.847297847 : f32
    %broadcast_in_dim3A_70 = vector.broadcast %jit3A_69 : f32 to vector<1024x1xf32>
    %select_n3A_71 = arith.select %eq3A_8, %select_n3A_43, %broadcast_in_dim3A_70 : vector<1024x1xi1>, vector<1024x1xf32>
    %ge3A = vector.broadcast %select_n3A_71 : vector<1024x1xf32> to vector<1024x1152xf32>
    %ge3A_72 = arith.cmpf oge, %select_n3A_68, %ge3A : vector<1024x1152xf32>
    %jit3A_73 = arith.constant 0.000000e+00 : f32
    %broadcast_in_dim3A_74 = vector.broadcast %jit3A_73 : f32 to vector<1024x1152xf32>
    %select_n3A_75 = arith.select %ge3A_72, %div3A_63, %broadcast_in_dim3A_74 : vector<1024x1152xi1>, vector<1024x1152xf32>
    %sub3A = arith.subf %div3A_63, %mul3A_57 : vector<1024x1152xf32>
    %select_n3A_76 = arith.select %eq3A_54, %sub3A, %select_n3A_75 : vector<1024x1152xi1>, vector<1024x1152xf32>
    %reduce_sum3A = vector.shape_cast %select_n3A_76 : vector<1024x1152xf32> to vector<1x1024x1152xf32>
    %reduce_sum3A_77 = arith.constant dense<0.000000e+00> : vector<1xf32>
    %reduce_sum3A_78 = vector.multi_reduction <add>, %reduce_sum3A, %reduce_sum3A_77 [1, 2] : vector<1x1024x1152xf32> to vector<1xf32>
    %reduce_sum3A_79 = vector.shape_cast %reduce_sum3A_78 : vector<1xf32> to vector<1x1x1xf32>
    %reduce_sum3A_80 = vector.extract %reduce_sum3A_79[0, 0, 0] : f32 from vector<1x1x1xf32>
    %broadcast_in_dim3A_81 = vector.broadcast %reduce_sum3A_80 : f32 to vector<1x1xf32>
    %eq3A_82 = arith.constant 0 : i32
    %eq3A_83 = arith.cmpi eq, %arg0, %eq3A_82 : i32
    %eq3A_84 = arith.constant 0 : i32
    %eq3A_85 = arith.cmpi eq, %arg1, %eq3A_84 : i32
    %and3A_86 = arith.andi %eq3A_83, %eq3A_85 : i1
    %convert_element_type3A_87 = arith.extui %and3A_86 : i1 to i32
    %cond3A_88 = arith.constant 0 : i32
    %cond3A_89 = arith.cmpi ne, %convert_element_type3A_87, %cond3A_88 : i32
    scf.if %cond3A_89 {
      %swap3A = arith.constant 0 : index
      %swap3A_96 = arith.constant 0 : index
      %swap3A_97 = vector.load %arg5[%swap3A, %swap3A_96] : memref<1x1xf32, #tpu.memory_space<vmem>>, vector<1x1xf32>
      tpu.vector_store %arg5[%swap3A, %swap3A_96], %broadcast_in_dim3A_81 {strides = array<i32>} : memref<1x1xf32, #tpu.memory_space<vmem>>, vector<1x1xf32>,
    } else {
    }
    %ne3A = arith.constant 0 : i32
    %ne3A_90 = arith.cmpi ne, %arg0, %ne3A : i32
    %ne3A_91 = arith.constant 0 : i32
    %ne3A_92 = arith.cmpi ne, %arg1, %ne3A_91 : i32
    %or3A = arith.ori %ne3A_90, %ne3A_92 : i1
    %convert_element_type3A_93 = arith.extui %or3A : i1 to i32
    %cond3A_94 = arith.constant 0 : i32
    %cond3A_95 = arith.cmpi ne, %convert_element_type3A_93, %cond3A_94 : i32
    scf.if %cond3A_95 {
      %get3A_96 = arith.constant 0 : index
      %get3A_97 = arith.constant 0 : index
      %get3A_98 = vector.load %arg5[%get3A_96, %get3A_97] : memref<1x1xf32, #tpu.memory_space<vmem>>, vector<1x1xf32>
      %add3A_99 = arith.addf %get3A_98, %broadcast_in_dim3A_81 : vector<1x1xf32>
      %swap3A = arith.constant 0 : index
      %swap3A_100 = arith.constant 0 : index
      %swap3A_101 = vector.load %arg5[%swap3A, %swap3A_100] : memref<1x1xf32, #tpu.memory_space<vmem>>, vector<1x1xf32>
      tpu.vector_store %arg5[%swap3A, %swap3A_100], %add3A_99 {strides = array<i32>} : memref<1x1xf32, #tpu.memory_space<vmem>>, vector<1x1xf32>,
    } else {
    }
    return
  }
  func.func @transform_0(%arg0: i32, %arg1: i32) -> (i32, i32) {
    %c0_i32 = arith.constant 0 : i32
    %c0_i32_0 = arith.constant 0 : i32
    %c0_i32_1 = arith.constant 0 : i32
    return %c0_i32, %c0_i32_0 : i32, i32
  }
  func.func @transform_1(%arg0: i32, %arg1: i32) -> (i32, i32) {
    %c0_i32 = arith.constant 0 : i32
    return %arg0, %arg1 : i32, i32
  }
  func.func @transform_2(%arg0: i32, %arg1: i32) -> (i32, i32) {
    %c0_i32 = arith.constant 0 : i32
    %c0_i32_0 = arith.constant 0 : i32
    return %arg0, %c0_i32 : i32, i32
  }
  func.func @transform_3(%arg0: i32, %arg1: i32) -> (i32, i32) {
    %c0_i32 = arith.constant 0 : i32
    %c0_i32_0 = arith.constant 0 : i32
    %c0_i32_1 = arith.constant 0 : i32
    return %c0_i32, %c0_i32_0 : i32, i32
  }
}

</mosaic_0001>

<sc_bundles>
// kernel: kernel.4.cloned.1.call-start
scs
__scs_entry_jumppad:
0x0: {  	(pc) =	sbr.rel $0x88, $3  }
0x1: {  	(tag) =	ssettag $0x0;
	lr =	simm.s32 $0x1  }
0x2: {  	[smem:$0x3F9F] =	sst lr;
	_ =	strace $0xD0000000  }
0x3: {  	_ = 	snop  }
0x4: {  	_ = 	snop  }
0x5: {  	_ = 	snop  }
0x6: {  	_ = 	snop  }
0x7: {  	_ = 	snop  }
__scs_overlays_trampoline_lowered:
0x8: {  	[smem:$0x3FAE] =	sst s0  }
0x9: {  	[smem:$0x3FAF] =	sst s1  }
0xa: {  	[smem:$0x3FB0] =	sst s2  }
0xb: {  	[smem:$0x3FB1] =	sst s3  }
0xc: {  	[smem:$0x3FB2] =	sst s4  }
0xd: {  	[smem:$0x3FB3] =	sst s5  }
0xe: {  	[smem:$0x3FB4] =	sst s6  }
0xf: {  	[smem:$0x3FB5] =	sst s7  }
0x10: {  	[smem:$0x3FB6] =	sst s8  }
0x11: {  	[smem:$0x3FB7] =	sst s9;
	s0 =	simm.s32 @!p0 $0x0  }
0x12: {  	s1 =	sld [smem:$0x3F9D];
	s0 =	simm.s32 @p0 $0x1  }
0x13: {  	[smem:$0x3FB8] =	sst s0;
	s0 =	simm.s32 @!p1 $0x0  }
0x14: {  	s2 =	sld [smem:$0x3F9C];
	s0 =	simm.s32 @p1 $0x1  }
0x15: {  	[smem:$0x3FB9] =	sst s0;
	s0 =	simm.s32 @!p2 $0x0  }
0x16: {  	s3 =	sld [smem:$0x3FDB];
	s0 =	simm.s32 @p2 $0x1  }
0x17: {  	s4 =	simm.s32 $0x1BF5;
	[smem:$0x3FBB] =	sst s0  }
0x18: {  	s0 =	sld [smem:$0x3F9E];
	_ =	swait.ge [sflag:s4], $0x0  }
0x19: {  	s7 =	sld [smem:$0x3F9F]  }
0x1a: {  	s8 =	sadd.s32 $0xFFFFE003, lr  }
0x1b: {  	s9 =	sadd.s32 $0xFFFFFEF7, lr;
	s5 =	simm.s32 $0xFFFFFFFF;
	p2 =	slt.u32 s8, $0xFFFFF086  }
0x1c: {  	p1 =	slt.u32 s9, $0xF7A;
	s5 =	simm.s32 @!p2 $0x0  }
0x1d: {  	s5 =	simm.s32 @p1 $0x1;
	p0 =	seq.s32 s7, s2  }
0x1e: {  	s7 =	smul.u32 @!p0 $0xF7A, s2;
	p2 =	seq.s32 @!p0 s5, $0x0  }
0x1f: {  	s9 =	smul.u32 $0xF7A, s1;
	s8 =	simm.s32 @!p0 $0x1BF5;
	p2 =	por !p2, p0  }
0x20: {  	[sflag:s8] =	ssyncset.s32 @!p0 $0xFFFFF086;
	s6 =	sadd.s32 @!p0 s3, s7;
	s7 =	simm.s32 @!p0 $0x108  }
0x21: {  	s3 =	sadd.s32 s3, s9;
	s6 =	sadd.s32 @!p0 $0x88, s6;
	s7 =	simm.s32 @p2 $0x1082  }
0x22: {  	[simem:s7], [sflag:s8] =	dma.local @!p0 [hbm:s6], $0xF7A  }
0x23: {  	s9 =	sor.u32 $0xD0000000, s2;
	s6 =	simm.s32 $0x108;
	_ =	swait.ge @!p0 [sflag:s8], $0x0  }
0x24: {  	s3 =	sadd.s32 $0x88, s3;
	s6 =	simm.s32 @!p1 $0x1082;
	[sflag:s4] =	ssyncset.s32 $0xFFFFF086  }
0x25: {  	[simem:s6], [sflag:s4] =	dma.local [hbm:s3], $0xF7A  }
0x26: {  	[smem:$0x3F9F] =	sst s1;
	(tag) =	ssettag s2;
	_ =	strace s9  }
0x27: {  	s1 =	sld [smem:$0x3FAF]  }
0x28: {  	s2 =	sld [smem:$0x3FB0]  }
0x29: {  	s4 =	sld [smem:$0x3FB2]  }
0x2a: {  	p0 =	seq.s32 s5, $0x0;
	s5 =	sld [smem:$0x3FB3]  }
0x2b: {  	s6 =	sld [smem:$0x3FB4]  }
0x2c: {  	s7 =	sld [smem:$0x3FB5]  }
0x2d: {  	s3 =	simm.s32 $0x108;
	s8 =	sld [smem:$0x3FB6]  }
0x2e: {  	s3 =	simm.s32 @!p0 $0x1082;
	s9 =	sld [smem:$0x3FB7]  }
0x2f: {  	lr =	sadd.s32 s0, s3;
	s0 =	sld [smem:$0x3FAE]  }
0x30: {  	s3 =	sld [smem:$0x3FB1]  }
0x31: {  	[smem:$0x3FBA] =	sst s10  }
0x32: {  	s10 =	sld [smem:$0x3FB8];
	_ =	sdelay $0x3  }
0x33: {  	p0 =	seq.s32 s10, $0x1;
	s10 =	sld [smem:$0x3FBA];
	_ =	sdelay $0x3  }
0x34: {  	[smem:$0x3FBA] =	sst s10  }
0x35: {  	s10 =	sld [smem:$0x3FB9];
	_ =	sdelay $0x3  }
0x36: {  	p1 =	seq.s32 s10, $0x1;
	s10 =	sld [smem:$0x3FBA];
	_ =	sdelay $0x3  }
0x37: {  	[smem:$0x3FBA] =	sst s10  }
0x38: {  	s10 =	sld [smem:$0x3FBB]  }
0x39: {  	_ = 	snop;
	(pc) =	sbr.ind lr, $3  }
0x3a: {  	_ = 	snop  }
0x3b: {  	_ = 	snop  }
0x3c: {  	p2 =	seq.s32 s10, $0x1;
	s10 =	sld [smem:$0x3FBA]  }
0x3d: {  	_ =	shalt  }
0x3e: {  	_ =	shalt  }
0x3f: {  	_ =	shalt  }
0x40: {  	_ =	shalt  }
0x41: {  	_ =	shalt  }
0x42: {  	_ =	shalt  }
0x43: {  	_ =	shalt  }
0x44: {  	_ =	shalt  }
0x45: {  	_ =	shalt  }
0x46: {  	_ =	shalt  }
0x47: {  	_ =	shalt  }
0x48: {  	_ =	shalt  }
0x49: {  	_ =	shalt  }
0x4a: {  	_ =	shalt  }
0x4b: {  	_ =	shalt  }
0x4c: {  	_ =	shalt  }
0x4d: {  	_ =	shalt  }
0x4e: {  	_ =	shalt  }
0x4f: {  	_ =	shalt  }
0x50: {  	_ =	shalt  }
0x51: {  	_ =	shalt  }
0x52: {  	_ =	shalt  }
0x53: {  	_ =	shalt  }
0x54: {  	_ =	shalt  }
0x55: {  	_ =	shalt  }
0x56: {  	_ =	shalt  }
0x57: {  	_ =	shalt  }
0x58: {  	_ =	shalt  }
0x59: {  	_ =	shalt  }
0x5a: {  	_ =	shalt  }
0x5b: {  	_ =	shalt  }
0x5c: {  	_ =	shalt  }
0x5d: {  	_ =	shalt  }
0x5e: {  	_ =	shalt  }
0x5f: {  	_ =	shalt  }
0x60: {  	_ =	shalt  }
0x61: {  	_ =	shalt  }
0x62: {  	_ =	shalt  }
0x63: {  	_ =	shalt  }
0x64: {  	_ =	shalt  }
0x65: {  	_ =	shalt  }
0x66: {  	_ =	shalt  }
0x67: {  	_ =	shalt  }
0x68: {  	_ =	shalt  }
0x69: {  	_ =	shalt  }
0x6a: {  	_ =	shalt  }
0x6b: {  	_ =	shalt  }
0x6c: {  	_ =	shalt  }
0x6d: {  	_ =	shalt  }
0x6e: {  	_ =	shalt  }
0x6f: {  	_ =	shalt  }
0x70: {  	_ =	shalt  }
0x71: {  	_ =	shalt  }
0x72: {  	_ =	shalt  }
0x73: {  	_ =	shalt  }
0x74: {  	_ =	shalt  }
0x75: {  	_ =	shalt  }
0x76: {  	_ =	shalt  }
0x77: {  	_ =	shalt  }
0x78: {  	_ =	shalt  }
0x79: {  	_ =	shalt  }
0x7a: {  	_ =	shalt  }
0x7b: {  	_ =	shalt  }
0x7c: {  	_ =	shalt  }
0x7d: {  	_ =	shalt  }
0x7e: {  	_ =	shalt  }
0x7f: {  	_ =	shalt  }
0x80: {  	_ =	shalt  }
0x81: {  	_ =	shalt  }
0x82: {  	_ =	shalt  }
0x83: {  	_ =	shalt  }
0x84: {  	_ =	shalt  }
0x85: {  	_ =	shalt  }
0x86: {  	_ =	shalt  }
0x87: {  	_ =	shalt  }
.Lfunc_end0:
.L_simem_size_0:
called_computation_lowered:
.L_overlay_start_0:
0x88: {  	s0 =	sld [smem:$0x3FD9]  }
0x89: {  	s1 =	sld [smem:$0x3FFE];
	_ =	sdelay $0x3  }
0x8a: {  	s0 =	sadd.s32 s1, s0  }
0x8b: {  	[smem:$0x3FC6] =	sst s0  }
0x8c: {  	_ = 	snop  }
0x8d: {  	s0 =	sld [smem:$0x3FC8];
	(tm) =	ssettm $0x1  }
0x8e: {  	s16 =	sld [smem:$0x3FFB];
	_ =	sdelay $0x3  }
0x8f: {  	_ =	strace s16  }
0x90: {  	s1 =	sld [smem:$0x3FFC];
	_ =	sdelay $0x3  }
0x91: {  	_ =	strace s1  }
0x92: {  	s1 =	sld [smem:$0x3FFD];
	_ =	sdelay $0x3  }
0x93: {  	_ =	strace s1  }
0x94: {  	_ =	strace $0x8FFFFFFF  }
0x95: {  	s17 =	sld [smem:$0x3FDB];
	_ =	sdelay $0x1  }
0x96: {  	s2 =	simm.s32 $_scs_section_size  }
0x97: {  	s3 =	simm.s32 $_size__tile_overlayer_lowered;
	s4 =	simm.s32 $_tile_overlayer_lowered  }
0x98: {  	s20 =	simm.s32 $0x1BFF;
	s19 =	sshll.u32 s4, $0x1;
	s1 =	sadd.s32 s2, s17  }
0x99: {  	s5 =	simm.s32 $0x0;
	s18 =	sshll.u32 s3, $0x1;
	s3 =	sadd.s32 s19, s1  }
0x9a: {  	[timem:s5], [sflag:s20] =	dma.local [hbm:s3], s18  }
0x9b: {  	_ =	swait.ge [sflag:s20], s18  }
0x9c: {  	s2 =	ssub.s32 $0x0, s18;
	[sflag:s20] =	ssyncset.done $0x0  }
0x9d: {  	[sflag:s20] =	ssyncadd.s32 s2;
	_ =	sdelay $0x1  }
0x9e: {  	s21 =	simm.s32 $0x1B8B  }
0x9f: {  	_ =	swait.ge [sflag:s21], $0x1  }
0xa0: {  	[sflag:s21] =	ssyncset.done $0x0  }
0xa1: {  	s23 =	simm.s32 $0x1B8E;
	s22 =	sld [smem:$0x3FFE];
	[sflag:s21] =	ssyncadd.s32 $0xFFFFFFFF  }
0xa2: {  	s24 =	simm.s32 $execute0_lowered;
	[smem:$0x3FD2] =	sst s23  }
0xa3: {  	s3 =	sshll.u32 s24, $0x1;
	_ =	strace $0x80000046;
	[dreg:$0x1] =	wrdreg $0xFFFFFFFF  }
0xa4: {  	s25 =	simm.s32 $_size_execute0_lowered;
	s1 =	sadd.s32 s1, s3;
	[dreg:$0x0] =	wrdreg $0x0  }
0xa5: {  	s3 =	sshll.u32 s25, $0x1;
	[dreg:$0x2] =	wrdreg s1  }
0xa6: {  	[dreg:$0x3] =	wrdreg s3  }
0xa7: {  	[dreg:$0x4] =	wrdreg $0xC0  }
0xa8: {  	_ =	task [dreg:s5], $0x5FFFF  }
0xa9: {  	[dreg:$0x1] =	wrdreg $0xFFFFFFFF  }
0xaa: {  	[dreg:$0x0] =	wrdreg $0x60  }
0xab: {  	[dreg:$0x2] =	wrdreg s22  }
0xac: {  	[dreg:$0x3] =	wrdreg s0  }
0xad: {  	[dreg:$0x4] =	wrdreg $0x9  }
0xae: {  	_ =	task.clear_ibuf [dreg:s5], $0x5FFFF;
	_ =	strace $0x90000046  }
0xaf: {  	s26 =	simm.s32 $0x9;
	_ =	strace $0x80000048  }
0xb0: {  	_ =	swait.ge [sflag:s26], $0x1  }
0xb1: {  	[sflag:s26] =	ssyncadd.s32 $0xFFFFFFFF  }
0xb2: {  	_ =	strace $0x90000048  }
0xb3: {  	_ =	sfence  }
0xb4: {  	s28 =	sld [smem:$0x0];
	_ =	sdelay $0x1  }
0xb5: {  	s29 =	srdreg.scid  }
0xb6: {  	s30 =	sshll.u32 s29, $0xD;
	s31 =	sshrl.u32 s29, $0x2  }
0xb7: {  	s2 =	sand.u32 $0x4000, s30;
	s1 =	sand.u32 $0x1, s29;
	s0 =	sadd.s32 s31, s28  }
0xb8: {  	s1 =	sor.u32 s2, s1;
	s0 =	sshll.u32 s0, $0x11  }
0xb9: {  	s0 =	sor.u32 s0, s1  }
0xba: {  	s0 =	sadd.s32 $0x8F2B, s0  }
0xbb: {  	[sflag:s0] =	ssyncadd.remote.s32 $0x1  }
0xbc: {  	_ =	sfence.sel $0xFFFF  }
0xbd: {  	[dreg:$0x0] =	wrdreg $0xFFFFFFFF;
	(pc) =	sbr.abs _section_cstart, $3  }
0xbe: {  	[dreg:$0x1] =	wrdreg $0xFFFFFFFF  }
0xbf: {  	_ =	task.clear_ibuf [dreg:s5], $0x2FFFF;
	_ =	strace $0x9FFFFFFF  }
0xc0: {  	(tm) =	ssettm $0x7FFFFFFF  }
0xc1: {  	_ =	shalt  }
tec
execute0_lowered:
.L_overlay_start_1:
0x0: {  	(tag) =	ssettag $0x1  }
0x1: {  	v0 =	vimm.f32 $1.167000000e+03;
	vm14 =	vcmask $0x300;
	vm13 =	vcmask $0x704  }
0x2: {  	vm12 =	vcmask $0xB08;
	vm11 =	vcmask $0xF0C;
	vm10 =	vcmask $0x1310  }
0x3: {  	vm9 =	vcmask $0x1714;
	vm8 =	vcmask $0x1B18;
	vm7 =	vcmask $0x1F1C  }
0x4: {  	vm6 =	vcmask $0x2320;
	vm5 =	vcmask $0x2724;
	vm4 =	vcmask $0x2B28  }
0x5: {  	vm3 =	vcmask $0x2F2C;
	vm2 =	vcmask $0x3330;
	vm1 =	vcmask $0x3734  }
0x6: {  	vm0 =	vcmask $0x3B38;
	v4 =	vimm.f32 $0.0e+00;
	v1 =	vimm.f32 $1.183000000e+03  }
0x7: {  	v2 =	vimm.f32 $1.199000000e+03;
	v3 =	vimm.f32 $1.203000000e+03;
	v0 =	vsel vm14, $0x44900000, v0  }
0x8: {  	v1 =	vsel vm14, $0x44920000, v1;
	v2 =	vsel vm14, $0x44940000, v2;
	v3 =	vsel vm14, $0x44948000, v3  }
0x9: {  	v0 =	vsel vm13, $0x44902000, v0;
	v1 =	vsel vm13, $0x44922000, v1;
	v2 =	vsel vm13, $0x44942000, v2  }
0xa: {  	v3 =	vsel vm13, $0x4494A000, v3;
	v0 =	vsel vm12, $0x44904000, v0;
	v1 =	vsel vm12, $0x44924000, v1  }
0xb: {  	v2 =	vsel vm12, $0x44944000, v2;
	v3 =	vsel vm12, $0x4494C000, v3;
	v0 =	vsel vm11, $0x44906000, v0  }
0xc: {  	v1 =	vsel vm11, $0x44926000, v1;
	v2 =	vsel vm11, $0x44946000, v2;
	v3 =	vsel vm11, $0x4494E000, v3  }
0xd: {  	s4 =	rddreg [dreg:$0x0];
	v0 =	vsel vm10, $0x44908000, v0;
	v1 =	vsel vm10, $0x44928000, v1;
	v2 =	vsel vm10, $0x44948000, v2  }
0xe: {  	s3 =	rddreg [dreg:$0x1];
	v3 =	vsel vm10, $0x44950000, v3;
	v0 =	vsel vm9, $0x4490A000, v0;
	v1 =	vsel vm9, $0x4492A000, v1  }
0xf: {  	s0 =	rddreg [dreg:$0x2];
	v2 =	vsel vm9, $0x4494A000, v2;
	v3 =	vsel vm9, $0x44952000, v3;
	v0 =	vsel vm8, $0x4490C000, v0  }
0x10: {  	s2 =	simm.s32 $0x0;
	s1 =	stileid.u32;
	s6 =	simm.s32 $0x3;
	v1 =	vsel vm8, $0x4492C000, v1;
	v2 =	vsel vm8, $0x4494C000, v2;
	v3 =	vsel vm8, $0x44954000, v3  }
0x11: {  	s9 =	simm.s32 $0x480;
	s10 =	simm.s32 $0x80;
	s11 =	simm.s32 $0x1;
	v0 =	vsel vm7, $0x4490E000, v0;
	v1 =	vsel vm7, $0x4492E000, v1;
	v2 =	vsel vm7, $0x4494E000, v2  }
0x12: {  	s12 =	simm.s32 $0x2;
	s13 =	simm.s32 $0x0;
	[smem:$0x7FF] =	sst s2;
	v3 =	vsel vm7, $0x44956000, v3;
	v0 =	vsel vm6, $0x44910000, v0;
	v1 =	vsel vm6, $0x44930000, v1  }
0x13: {  	s5 =	sshll.u32 s1, $0x7;
	s29 =	smul.u32 $0x28000, s1;
	s30 =	sshll.u32 s1, $0xA;
	v2 =	vsel vm6, $0x44950000, v2;
	v3 =	vsel vm6, $0x44958000, v3;
	v0 =	vsel vm5, $0x44912000, v0  }
0x14: {  	_ =	strace $0x80000047;
	s3 =	sadd.s32 s3, s5;
	s5 =	simm.s32 $0x400;
	v1 =	vsel vm5, $0x44932000, v1;
	v2 =	vsel vm5, $0x44952000, v2;
	v3 =	vsel vm5, $0x4495A000, v3  }
0x15: {  	[tilespmem:s2], [sflag:$0x3] =	stream.linear.gather [hbm4b:s3+s2], $0x400, $0x38;
	v0 =	vsel vm4, $0x44914000, v0;
	v1 =	vsel vm4, $0x44934000, v1;
	v2 =	vsel vm4, $0x44954000, v2;
	[tilespmem:$0x8500] =	vst v63  }
0x16: {  	s7 =	sadd.s32 s29, s4;
	s3 =	sadd.s32 $0x680, s4;
	_ =	swait.ge [sflag:s6], $0x400;
	v3 =	vsel vm4, $0x4495C000, v3;
	v0 =	vsel vm3, $0x44916000, v0;
	v1 =	vsel vm3, $0x44936000, v1  }
0x17: {  	s4 =	sadd.s32 $0x280200, s4;
	s8 =	sadd.s32 s29, s3;
	[sflag:s6] =	ssyncset.done $0x0;
	v2 =	vsel vm3, $0x44956000, v2;
	v3 =	vsel vm3, $0x4495E000, v3;
	v0 =	vsel vm2, $0x44918000, v0  }
0x18: {  	s31 =	sadd.s32 $0x5680, s7;
	[sflag:s6] =	ssyncadd.s32 $0xFFFFFC00;
	s6 =	simm.s32 $0x2800;
	v1 =	vsel vm2, $0x44938000, v1;
	v2 =	vsel vm2, $0x44958000, v2;
	v3 =	vsel vm2, $0x44960000, v3  }
0x19: {  	[tilespmem:s9], [sflag:$0x1] =	stream.strided.gather [hbm4b:s8+s5], $0x4000, s6, s5, $0x38;
	v0 =	vsel vm1, $0x4491A000, v0;
	v1 =	vsel vm1, $0x4493A000, v1;
	v2 =	vsel vm1, $0x4495A000, v2;
	[tilespmem:$0x8500] =	vst v63  }
0x1a: {  	s7 =	simm.s32 $0x4480;
	s8 =	sor.u32 $0x100, s30;
	s9 =	sor.u32 $0x180, s30;
	v3 =	vsel vm1, $0x44962000, v3;
	v0 =	vsel vm0, $0x4491C000, v0;
	v1 =	vsel vm0, $0x4493C000, v1  }
0x1b: {  	[tilespmem:s7], [sflag:$0x2] =	stream.strided.gather [hbm4b:s31+s5], $0x4000, s6, s5, $0x38;
	v2 =	vsel vm0, $0x4495C000, v2;
	v3 =	vsel vm0, $0x44964000, v3;
	vm0 =	vmmov $0xfff;
	[tilespmem:$0x8500] =	vst v63  }
.LBB2_1:
0x1c: {  	_ =	swait.ge [sflag:s11], $0x4000  }
0x1d: {  	[sflag:s11] =	ssyncset.done $0x0  }
0x1e: {  	s14 =	simm.s32 $0x4A0;
	[sflag:s11] =	ssyncadd.s32 $0xFFFFC000  }
0x1f: {  	v10 =	vld [tilespmem:s14+$0xFFFFFFF0]  }
0x20: {  	v12 =	vld [tilespmem:s14+$0xFFFFFFE0];
	_ =	sdelay $0x3  }
0x21: {  	v7 =	vand.u32 $0x7FFFFFFF, v10  }
0x22: {  	v5 =	vld [tilespmem:s14+$0x4];
	v8 =	vand.u32 $0x7FFFFFFF, v12;
	v7 =	vsub.f32 $0.0e+00, v7  }
0x23: {  	v6 =	vld [tilespmem:s14+$0x0];
	v8 =	vsub.f32 $0.0e+00, v8  }
0x24: {  	v7 =	vmul.f32 $1.442695020e+00, v7  }
0x25: {  	v8 =	vmul.f32 $1.442695020e+00, v8  }
0x26: {  	(erf) = vpow2.f32 v7  }
0x27: {  	v9 =	vand.u32 $0x7FFFFFFF, v5;
	(erf) = vpow2.f32 v8  }
0x28: {  	v11 =	vand.u32 $0x7FFFFFFF, v6;
	v9 =	vsub.f32 $0.0e+00, v9  }
0x29: {  	v7 =	vsub.f32 $0.0e+00, v11  }
0x2a: {  	v8 =	vmul.f32 $1.442695020e+00, v9  }
0x2b: {  	v7 =	vmul.f32 $1.442695020e+00, v7  }
0x2c: {  	(erf) = vpow2.f32 v8  }
0x2d: {  	(erf) = vpow2.f32 v7;
	_ =	sdelay $0x1  }
0x2e: {  	v15 =	vpop (erf)  }
0x2f: {  	v16 =	vpop (erf)  }
0x30: {  	v7 =	vmul.f32 $6.151470820e-03, v16;
	_ =	sdelay $0x1  }
0x31: {  	v14 =	vmov s2;
	v7 =	vsub.f32 $3.484971080e-02, v7;
	_ =	sdelay $0x1  }
0x32: {  	v13 =	vpop (erf);
	v11 =	vmul.f32 v7, v16  }
0x33: {  	v8 =	vmul.f32 $6.151470820e-03, v15;
	v18 =	vpop (erf)  }
0x34: {  	s31 =	simm.s32 $0x0;
	v9 =	vmul.f32 $6.151470820e-03, v18;
	v11 =	vadd.f32 $-9.325204040e-02, v11  }
0x35: {  	s14 =	simm.s32 $0x520;
	v22 =	vld.idx.msk [tilespmem:v14+s31+$0x0 ss:$0x1], $0xffff;
	v8 =	vsub.f32 $3.484971080e-02, v8;
	v20 =	vmul.f32 $6.151470820e-03, v13  }
0x36: {  	v7 =	vld [tilespmem:s14+$0xFFFFFFF0];
	v9 =	vsub.f32 $3.484971080e-02, v9;
	v11 =	vmul.f32 v11, v16  }
0x37: {  	v21 =	vmul.f32 v8, v15;
	v23 =	vsub.f32 $3.484971080e-02, v20  }
0x38: {  	v8 =	vld [tilespmem:s14+$0xFFFFFFE0];
	v9 =	vmul.f32 v9, v18;
	v11 =	vadd.f32 $1.658227590e-01, v11  }
0x39: {  	v17 =	vmax.f32 v5, $0.0e+00;
	v24 =	vadd.f32 $-9.325204040e-02, v21;
	v23 =	vmul.f32 v23, v13  }
0x3a: {  	(v2sf) =	vpush v22, $0x0;
	v9 =	vadd.f32 $-9.325204040e-02, v9;
	v11 =	vmul.f32 v11, v16  }
0x3b: {  	v24 =	vmul.f32 v24, v15;
	v23 =	vadd.f32 $-9.325204040e-02, v23;
	v22 =	vand.u32 $0x7FFFFFFF, v7  }
0x3c: {  	v22 =	vsub.f32 $0.0e+00, v22;
	v9 =	vmul.f32 v9, v18;
	v11 =	vadd.f32 $-2.398261580e-01, v11  }
0x3d: {  	v25 =	vand.u32 $0x7FFFFFFF, v8;
	v24 =	vadd.f32 $1.658227590e-01, v24;
	v23 =	vmul.f32 v23, v13  }
0x3e: {  	v22 =	vmul.f32 $1.442695020e+00, v22;
	v26 =	vadd.f32 $1.658227590e-01, v9;
	v11 =	vmul.f32 v11, v16  }
0x3f: {  	v25 =	vsub.f32 $0.0e+00, v25;
	v24 =	vmul.f32 v24, v15;
	v23 =	vadd.f32 $1.658227590e-01, v23;
	v9 =	vld [tilespmem:s14+$0x4]  }
0x40: {  	(erf) = vpow2.f32 v22;
	v26 =	vmul.f32 v26, v18;
	v22 =	vadd.f32 $3.315486310e-01, v11;
	v11 =	vld [tilespmem:s14+$0x0]  }
0x41: {  	v19 =	vmax.f32 v6, $0.0e+00;
	v25 =	vmul.f32 $1.442695020e+00, v25;
	v24 =	vadd.f32 $-2.398261580e-01, v24  }
0x42: {  	v20 =	vmax.f32 v10, $0.0e+00;
	v27 =	vmul.f32 v23, v13;
	v26 =	vadd.f32 $-2.398261580e-01, v26  }
0x43: {  	v21 =	vmax.f32 v12, $0.0e+00;
	(erf) = vpow2.f32 v25;
	v23 =	vmul.f32 v24, v15  }
0x44: {  	s15 =	simm.s32 $0x4;
	s16 =	simm.s32 $0x8;
	v24 =	vand.u32 $0x7FFFFFFF, v9;
	v25 =	vmul.f32 v26, v18;
	v26 =	vadd.f32 $-2.398261580e-01, v27  }
.LBB2_2:
0x45: {  	p0 =	sne.s32 s16, $0x1FC;
	v27 =	vand.u32 $0x7FFFFFFF, v11;
	v22 =	vmul.f32 v22, v16;
	v23 =	vadd.f32 $3.315486310e-01, v23  }
0x46: {  	v24 =	vsub.f32 $0.0e+00, v24;
	v25 =	vadd.f32 $3.315486310e-01, v25;
	v26 =	vmul.f32 v26, v13  }
0x47: {  	v27 =	vsub.f32 $0.0e+00, v27;
	v22 =	vadd.f32 $-4.998385610e-01, v22;
	v23 =	vmul.f32 v23, v15  }
0x48: {  	v24 =	vmul.f32 $1.442695020e+00, v24;
	v25 =	vmul.f32 v25, v18;
	v28 =	vadd.f32 $3.315486310e-01, v26  }
0x49: {  	v27 =	vmul.f32 $1.442695020e+00, v27;
	v22 =	vmul.f32 v22, v16;
	v23 =	vadd.f32 $-4.998385610e-01, v23  }
0x4a: {  	(erf) = vpow2.f32 v24;
	v24 =	vadd.f32 $-4.998385610e-01, v25;
	v25 =	vmul.f32 v28, v13;
	s17 =	spop (v2sf)  }
0x4b: {  	s18 =	simm.f32 $-3.000000010e+38;
	v26 =	vpop (erf);
	(erf) = vpow2.f32 v27;
	v22 =	vadd.f32 $9.999942770e-01, v22;
	v23 =	vmul.f32 v23, v15  }
0x4c: {  	p1 =	seq.s32 s17, $0x4B3;
	v27 =	vmul.f32 $6.151470820e-03, v26;
	v28 =	vpop (erf);
	v24 =	vmul.f32 v24, v18;
	v25 =	vadd.f32 $-4.998385610e-01, v25  }
0x4d: {  	s18 =	simm.s32 @!p1 $0x3F58E883;
	v29 =	vmul.f32 $6.151470820e-03, v28;
	v22 =	vmul.f32 v22, v16;
	v23 =	vadd.f32 $9.999942770e-01, v23;
	v16 =	vmovc v28  }
0x4e: {  	vm1 =	vge.f32 v5, s18;
	v24 =	vadd.f32 $9.999942770e-01, v24;
	v25 =	vmul.f32 v25, v13  }
0x4f: {  	s17 =	scvt.s32.f32 s17;
	vm2 =	vge.f32 v6, s18;
	v22 =	vadd.f32 $3.386965370e-08, v22;
	v23 =	vmul.f32 v23, v15;
	v15 =	vmovc v26  }
0x50: {  	vm3 =	vge.f32 v10, s18;
	v18 =	vmul.f32 v24, v18;
	v24 =	vadd.f32 $9.999942770e-01, v25  }
0x51: {  	v25 =	vmov s17;
	v21 =	vadd.f32 v22, v21;
	v22 =	vadd.f32 $3.386965370e-08, v23  }
0x52: {  	vm4 =	vge.f32 v12, s18;
	v23 =	vadd.f32 $3.386965370e-08, v18;
	v24 =	vmul.f32 v24, v13  }
0x53: {  	vm5 =	veq.f32 v25, v1;
	v13 =	vpop (erf);
	v26 =	vsub.f32 v21, v12;
	v20 =	vadd.f32 v22, v20  }
0x54: {  	v21 =	vnsel vm4, $0x0, v21;
	vm4 =	veq.f32 v25, v0;
	v18 =	vpop (erf);
	v22 =	vadd.f32 $3.386965370e-08, v24  }
0x55: {  	v19 =	vadd.f32 v23, v19;
	v24 =	vsel vm4, v26, v21;
	v21 =	vsub.f32 v20, v10;
	v10 =	vmovc v7  }
0x56: {  	v12 =	vmovc v8;
	v7 =	vnsel vm3, $0x0, v20;
	v4 =	vadd.f32 v24, v4;
	v17 =	vadd.f32 v22, v17  }
0x57: {  	vm3 =	veq.f32 v25, v2;
	v8 =	vsub.f32 v19, v6;
	v6 =	vmovc v11;
	v7 =	vsel vm5, v21, v7  }
0x58: {  	v4 =	vadd.f32 v7, v4;
	v7 =	vnsel vm2, $0x0, v19;
	v11 =	vsub.f32 v17, v5;
	v5 =	vmovc v9  }
0x59: {  	v7 =	vsel vm3, v8, v7;
	v8 =	vnsel vm1, $0x0, v17;
	vm1 =	veq.f32 v25, v3  }
0x5a: {  	v9 =	vsub.f32 $3.484971080e-02, v29;
	v4 =	vadd.f32 v7, v4;
	v7 =	vsel vm1, v11, v8  }
0x5b: {  	s17 =	sshra.s32 s15, $0x2;
	s15 =	smov.u32 s16;
	v8 =	vmul.f32 $6.151470820e-03, v18;
	v7 =	vsel vm0, $0x0, v7  }
0x5c: {  	v17 =	vsub.f32 $3.484971080e-02, v27;
	v9 =	vmul.f32 v9, v16;
	v11 =	vld.idx.msk [tilespmem:v14+s17+$0x0 ss:$0x1], $0xffff;
	v4 =	vadd.f32 v7, v4  }
0x5d: {  	s14 =	sadd.s32 $0x80, s14;
	v20 =	vmul.f32 $6.151470820e-03, v13;
	v19 =	vsub.f32 $3.484971080e-02, v8  }
0x5e: {  	v21 =	vmul.f32 v17, v15;
	v17 =	vmax.f32 v5, $0.0e+00;
	v9 =	vadd.f32 $-9.325204040e-02, v9;
	v7 =	vld [tilespmem:s14+$0xFFFFFFF0]  }
0x5f: {  	v23 =	vsub.f32 $3.484971080e-02, v20;
	v22 =	vmul.f32 v19, v18;
	v19 =	vmax.f32 v6, $0.0e+00;
	v8 =	vld [tilespmem:s14+$0xFFFFFFE0]  }
0x60: {  	v20 =	vmax.f32 v10, $0.0e+00;
	v24 =	vadd.f32 $-9.325204040e-02, v21;
	v9 =	vmul.f32 v9, v16  }
0x61: {  	v23 =	vmul.f32 v23, v13;
	v21 =	vmax.f32 v12, $0.0e+00;
	v22 =	vadd.f32 $-9.325204040e-02, v22  }
0x62: {  	v24 =	vmul.f32 v24, v15;
	v9 =	vadd.f32 $1.658227590e-01, v9;
	(v2sf) =	vpush v11, $0x0  }
0x63: {  	v23 =	vadd.f32 $-9.325204040e-02, v23;
	v22 =	vmul.f32 v22, v18;
	v11 =	vand.u32 $0x7FFFFFFF, v7  }
0x64: {  	v24 =	vadd.f32 $1.658227590e-01, v24;
	v26 =	vmul.f32 v9, v16;
	v25 =	vand.u32 $0x7FFFFFFF, v8  }
0x65: {  	v23 =	vmul.f32 v23, v13;
	v11 =	vsub.f32 $0.0e+00, v11;
	v22 =	vadd.f32 $1.658227590e-01, v22  }
0x66: {  	v24 =	vmul.f32 v24, v15;
	v26 =	vadd.f32 $-2.398261580e-01, v26;
	v25 =	vsub.f32 $0.0e+00, v25;
	v9 =	vld [tilespmem:s14+$0x4]  }
.Ltmp0:
0x67: {  	v23 =	vadd.f32 $1.658227590e-01, v23;
	v27 =	vmul.f32 $1.442695020e+00, v11;
	v22 =	vmul.f32 v22, v18;
	v11 =	vld [tilespmem:s14+$0x0];
	(pc) =	sbr.rel @p0 .LBB2_2-.Ltmp0, $4  }
0x68: {  	v24 =	vadd.f32 $-2.398261580e-01, v24;
	v26 =	vmul.f32 v26, v16;
	v25 =	vmul.f32 $1.442695020e+00, v25  }
0x69: {  	v28 =	vmul.f32 v23, v13;
	(erf) = vpow2.f32 v27;
	v27 =	vadd.f32 $-2.398261580e-01, v22  }
0x6a: {  	v23 =	vmul.f32 v24, v15;
	v22 =	vadd.f32 $3.315486310e-01, v26;
	(erf) = vpow2.f32 v25  }
0x6b: {  	s16 =	sadd.s32 $0x4, s16;
	v26 =	vadd.f32 $-2.398261580e-01, v28;
	v24 =	vand.u32 $0x7FFFFFFF, v9;
	v25 =	vmul.f32 v27, v18  }
0x6c: {  	v27 =	vand.u32 $0x7FFFFFFF, v11;
	v22 =	vmul.f32 v22, v16;
	v23 =	vadd.f32 $3.315486310e-01, v23  }
0x6d: {  	v24 =	vsub.f32 $0.0e+00, v24;
	v25 =	vadd.f32 $3.315486310e-01, v25;
	v26 =	vmul.f32 v26, v13  }
0x6e: {  	v27 =	vsub.f32 $0.0e+00, v27;
	v22 =	vadd.f32 $-4.998385610e-01, v22;
	v23 =	vmul.f32 v23, v15  }
0x6f: {  	v24 =	vmul.f32 $1.442695020e+00, v24;
	v25 =	vmul.f32 v25, v18;
	v26 =	vadd.f32 $3.315486310e-01, v26  }
0x70: {  	v27 =	vmul.f32 $1.442695020e+00, v27;
	v22 =	vmul.f32 v22, v16;
	v23 =	vadd.f32 $-4.998385610e-01, v23  }
0x71: {  	(erf) = vpow2.f32 v24;
	v24 =	vadd.f32 $-4.998385610e-01, v25;
	v25 =	vmul.f32 v26, v13;
	s14 =	spop (v2sf)  }
0x72: {  	s16 =	simm.f32 $-3.000000010e+38;
	(erf) = vpow2.f32 v27;
	v26 =	vadd.f32 $9.999942770e-01, v22;
	v27 =	vmul.f32 v23, v15;
	p0 =	seq.s32 s14, $0x4B3  }
0x73: {  	v24 =	vmul.f32 v24, v18;
	v25 =	vadd.f32 $-4.998385610e-01, v25;
	s16 =	simm.s32 @!p0 $0x3F58E883  }
0x74: {  	v22 =	vpop (erf);
	v16 =	vmul.f32 v26, v16;
	v27 =	vadd.f32 $9.999942770e-01, v27;
	vm1 =	vge.f32 v5, s16  }
0x75: {  	vm2 =	vge.f32 v6, s16;
	vm3 =	vge.f32 v10, s16;
	v26 =	vmul.f32 $6.151470820e-03, v22  }
0x76: {  	v23 =	vpop (erf);
	v24 =	vadd.f32 $9.999942770e-01, v24;
	v25 =	vmul.f32 v25, v13;
	v16 =	vadd.f32 $3.386965370e-08, v16  }
0x77: {  	s15 =	sshra.s32 s15, $0x2;
	s14 =	scvt.s32.f32 s14;
	vm4 =	vge.f32 v12, s16;
	v28 =	vmul.f32 $6.151470820e-03, v23;
	v15 =	vmul.f32 v27, v15  }
0x78: {  	v18 =	vmul.f32 v24, v18;
	v16 =	vadd.f32 v16, v21;
	v21 =	vadd.f32 $9.999942770e-01, v25;
	v25 =	vld.idx.msk [tilespmem:v14+s15+$0x0 ss:$0x1], $0xffff  }
0x79: {  	v24 =	vmov s14;
	v26 =	vsub.f32 $3.484971080e-02, v26;
	v15 =	vadd.f32 $3.386965370e-08, v15  }
0x7a: {  	vm13 =	veq.f32 v24, v0;
	vm14 =	veq.f32 v24, v1;
	v18 =	vadd.f32 $3.386965370e-08, v18;
	v14 =	vpop (erf)  }
0x7b: {  	v13 =	vmul.f32 v21, v13;
	v15 =	vadd.f32 v15, v20;
	v20 =	vpop (erf);
	v21 =	vsub.f32 $3.484971080e-02, v28  }
0x7c: {  	v12 =	vsub.f32 v16, v12;
	v16 =	vnsel vm4, $0x0, v16;
	v27 =	vmul.f32 $6.151470820e-03, v20  }
0x7d: {  	v18 =	vadd.f32 v18, v19;
	v21 =	vmul.f32 v21, v23;
	(v2sf) =	vpush v25, $0x0  }
0x7e: {  	v12 =	vsel vm13, v12, v16;
	v16 =	vsub.f32 $3.484971080e-02, v27;
	v25 =	vmul.f32 $6.151470820e-03, v14  }
0x7f: {  	v19 =	vmul.f32 v26, v22;
	v13 =	vadd.f32 $3.386965370e-08, v13;
	v21 =	vadd.f32 $-9.325204040e-02, v21  }
0x80: {  	v4 =	vadd.f32 v12, v4;
	v16 =	vmul.f32 v16, v20;
	v12 =	vsub.f32 $3.484971080e-02, v25  }
0x81: {  	v10 =	vsub.f32 v15, v10;
	v19 =	vadd.f32 $-9.325204040e-02, v19;
	v21 =	vmul.f32 v21, v23  }
0x82: {  	v15 =	vnsel vm3, $0x0, v15;
	v16 =	vadd.f32 $-9.325204040e-02, v16;
	v12 =	vmul.f32 v12, v14  }
0x83: {  	v13 =	vadd.f32 v13, v17;
	v17 =	vmul.f32 v19, v22;
	v21 =	vadd.f32 $1.658227590e-01, v21  }
0x84: {  	vm3 =	veq.f32 v24, v2;
	v16 =	vmul.f32 v16, v20;
	v12 =	vadd.f32 $-9.325204040e-02, v12  }
0x85: {  	p0 =	seq.s32 s13, $0x3;
	s14 =	sshll.u32 s13, $0x8;
	v10 =	vsel vm14, v10, v15;
	v17 =	vadd.f32 $1.658227590e-01, v17;
	v15 =	vmul.f32 v21, v23  }
0x86: {  	s15 =	sadd.s32 @!p0 s14, s8;
	v6 =	vsub.f32 v18, v6;
	v16 =	vadd.f32 $1.658227590e-01, v16;
	v12 =	vmul.f32 v12, v14  }
0x87: {  	s15 =	sshrl.u32 @!p0 s15, $0x3;
	v4 =	vadd.f32 v10, v4;
	v10 =	vmul.f32 v17, v22;
	v15 =	vadd.f32 $-2.398261580e-01, v15  }
0x88: {  	s15 =	smul.u32 @!p0 $0x500, s15;
	v5 =	vsub.f32 v13, v5;
	v16 =	vmul.f32 v16, v20;
	v12 =	vadd.f32 $1.658227590e-01, v12  }
0x89: {  	s16 =	simm.s32 @!p0 $0x400;
	v13 =	vnsel vm1, $0x0, v13;
	v10 =	vadd.f32 $-2.398261580e-01, v10;
	v15 =	vmul.f32 v15, v23  }
0x8a: {  	s17 =	simm.s32 @!p0 $0x2800;
	s18 =	simm.s32 @!p0 $0x480;
	s15 =	sadd.s32 @!p0 s15, s3;
	v17 =	vnsel vm2, $0x0, v18;
	v16 =	vadd.f32 $-2.398261580e-01, v16;
	v12 =	vmul.f32 v12, v14  }
0x8b: {  	[tilespmem:s18], [sflag:$0x1] =	stream.strided.gather @!p0 [hbm4b:s15+s16], $0x4000, s17, s16, $0x38;
	v6 =	vsel vm3, v6, v17;
	v10 =	vmul.f32 v10, v22;
	v15 =	vadd.f32 $3.315486310e-01, v15;
	[tilespmem:$0x8500] =	vst v63  }
0x8c: {  	v4 =	vadd.f32 v6, v4;
	v16 =	vmul.f32 v16, v20;
	v6 =	vadd.f32 $-2.398261580e-01, v12;
	s29 =	spop (v2sf)  }
0x8d: {  	vm1 =	veq.f32 v24, v3;
	v10 =	vadd.f32 $3.315486310e-01, v10;
	v12 =	vmul.f32 v15, v23;
	_ =	swait.ge [sflag:s12], $0x4000  }
0x8e: {  	v5 =	vsel vm1, v5, v13;
	v15 =	vadd.f32 $3.315486310e-01, v16;
	v6 =	vmul.f32 v6, v14;
	[sflag:s12] =	ssyncset.done $0x0  }
0x8f: {  	s30 =	simm.s32 $0x4480;
	v5 =	vsel vm0, $0x0, v5;
	v10 =	vmul.f32 v10, v22;
	v12 =	vadd.f32 $-4.998385610e-01, v12;
	[sflag:s12] =	ssyncadd.s32 $0xFFFFC000  }
0x90: {  	v13 =	vmul.f32 v15, v20;
	v15 =	vadd.f32 v5, v4;
	v4 =	vadd.f32 $3.315486310e-01, v6;
	v6 =	vld [tilespmem:s30+$0x10]  }
0x91: {  	v5 =	vmul.f32 v12, v23;
	v12 =	vadd.f32 $-4.998385610e-01, v10;
	v10 =	vld [tilespmem:s30+$0x0]  }
0x92: {  	s16 =	simm.f32 $-3.000000010e+38;
	v19 =	vmax.f32 v7, $0.0e+00;
	p1 =	seq.s32 s29, $0x4B3  }
0x93: {  	v21 =	vmax.f32 v8, $0.0e+00;
	s16 =	simm.s32 @!p1 $0x3F58E883;
	v13 =	vadd.f32 $-4.998385610e-01, v13;
	v18 =	vmul.f32 v4, v14  }
0x94: {  	vm2 =	vge.f32 v7, s16;
	v5 =	vadd.f32 $9.999942770e-01, v5;
	v12 =	vmul.f32 v12, v22  }
0x95: {  	v13 =	vmul.f32 v13, v20;
	v18 =	vadd.f32 $-4.998385610e-01, v18;
	v24 =	vand.u32 $0x7FFFFFFF, v6  }
0x96: {  	v4 =	vld [tilespmem:s30+$0x24];
	v12 =	vadd.f32 $9.999942770e-01, v12;
	v25 =	vand.u32 $0x7FFFFFFF, v10;
	v24 =	vsub.f32 $0.0e+00, v24  }
0x97: {  	v23 =	vmul.f32 v5, v23;
	v5 =	vld [tilespmem:s30+$0x20];
	v18 =	vmul.f32 v18, v14;
	v25 =	vsub.f32 $0.0e+00, v25  }
0x98: {  	v13 =	vadd.f32 $9.999942770e-01, v13;
	v12 =	vmul.f32 v12, v22;
	v22 =	vmul.f32 $1.442695020e+00, v24  }
0x99: {  	vm3 =	vge.f32 v8, s16;
	v23 =	vadd.f32 $3.386965370e-08, v23;
	v25 =	vmul.f32 $1.442695020e+00, v25  }
0x9a: {  	v13 =	vmul.f32 v13, v20;
	v18 =	vadd.f32 $9.999942770e-01, v18;
	(erf) = vpow2.f32 v22  }
0x9b: {  	v24 =	vand.u32 $0x7FFFFFFF, v4;
	v21 =	vadd.f32 v23, v21;
	(erf) = vpow2.f32 v25  }
0x9c: {  	s15 =	scvt.s32.f32 s29;
	v12 =	vadd.f32 $3.386965370e-08, v12;
	v26 =	vand.u32 $0x7FFFFFFF, v5;
	v24 =	vsub.f32 $0.0e+00, v24  }
0x9d: {  	v14 =	vmul.f32 v18, v14;
	v20 =	vsub.f32 $0.0e+00, v26;
	v8 =	vsub.f32 v21, v8  }
0x9e: {  	v12 =	vadd.f32 v12, v19;
	v22 =	vmul.f32 $1.442695020e+00, v24;
	v24 =	vmov s15  }
0x9f: {  	v18 =	vnsel vm3, $0x0, v21;
	v20 =	vmul.f32 $1.442695020e+00, v20;
	vm3 =	veq.f32 v24, v0  }
0xa0: {  	v13 =	vadd.f32 $3.386965370e-08, v13;
	(erf) = vpow2.f32 v22;
	v8 =	vsel vm3, v8, v18  }
0xa1: {  	(erf) = vpow2.f32 v20;
	v8 =	vadd.f32 v8, v15;
	v15 =	vnsel vm2, $0x0, v12  }
0xa2: {  	v17 =	vmax.f32 v11, $0.0e+00;
	v14 =	vadd.f32 $3.386965370e-08, v14;
	v7 =	vsub.f32 v12, v7  }
0xa3: {  	v16 =	vmax.f32 v9, $0.0e+00;
	v13 =	vadd.f32 v13, v17;
	vm15 =	veq.f32 v24, v1;
	v12 =	vpop (erf)  }
0xa4: {  	vm1 =	vge.f32 v9, s16;
	v14 =	vadd.f32 v14, v16;
	v7 =	vsel vm15, v7, v15;
	v15 =	vpop (erf)  }
0xa5: {  	vm3 =	veq.f32 v24, v2;
	v16 =	vsub.f32 v13, v11;
	v18 =	vmul.f32 $6.151470820e-03, v15  }
0xa6: {  	vm2 =	vge.f32 v11, s16;
	v11 =	vmov s10;
	v9 =	vsub.f32 v14, v9  }
0xa7: {  	v7 =	vadd.f32 v7, v8;
	v8 =	vnsel vm2, $0x0, v13;
	v18 =	vsub.f32 $3.484971080e-02, v18  }
0xa8: {  	v14 =	vnsel vm1, $0x0, v14;
	vm1 =	veq.f32 v24, v3;
	v8 =	vsel vm3, v16, v8  }
0xa9: {  	v7 =	vadd.f32 v8, v7;
	v8 =	vsel vm1, v9, v14;
	v13 =	vpop (erf);
	v14 =	vmul.f32 v18, v15  }
0xaa: {  	v16 =	vmul.f32 $6.151470820e-03, v12;
	v17 =	vpop (erf)  }
0xab: {  	s31 =	simm.s32 $0x0;
	v9 =	vmul.f32 $6.151470820e-03, v17;
	v14 =	vadd.f32 $-9.325204040e-02, v14  }
0xac: {  	s16 =	simm.s32 $0x4500;
	v8 =	vsel vm0, $0x0, v8;
	v22 =	vld.idx.msk [tilespmem:v11+s31+$0x0 ss:$0x1], $0xffff;
	v20 =	vmul.f32 $6.151470820e-03, v13;
	v18 =	vsub.f32 $3.484971080e-02, v16  }
0xad: {  	v16 =	vadd.f32 v8, v7;
	v7 =	vld [tilespmem:s16+$0x10];
	v9 =	vsub.f32 $3.484971080e-02, v9;
	v14 =	vmul.f32 v14, v15  }
0xae: {  	v23 =	vsub.f32 $3.484971080e-02, v20;
	v21 =	vmul.f32 v18, v12  }
0xaf: {  	v8 =	vld [tilespmem:s16+$0x0];
	v9 =	vmul.f32 v9, v17;
	v14 =	vadd.f32 $1.658227590e-01, v14  }
0xb0: {  	v19 =	vmax.f32 v5, $0.0e+00;
	v23 =	vmul.f32 v23, v13;
	v24 =	vadd.f32 $-9.325204040e-02, v21  }
0xb1: {  	(v2sf) =	vpush v22, $0x0;
	v9 =	vadd.f32 $-9.325204040e-02, v9;
	v14 =	vmul.f32 v14, v15  }
0xb2: {  	v23 =	vadd.f32 $-9.325204040e-02, v23;
	v22 =	vand.u32 $0x7FFFFFFF, v7;
	v24 =	vmul.f32 v24, v12  }
0xb3: {  	v22 =	vsub.f32 $0.0e+00, v22;
	v9 =	vmul.f32 v9, v17;
	v14 =	vadd.f32 $-2.398261580e-01, v14  }
0xb4: {  	v25 =	vand.u32 $0x7FFFFFFF, v8;
	v23 =	vmul.f32 v23, v13;
	v24 =	vadd.f32 $1.658227590e-01, v24  }
0xb5: {  	v22 =	vmul.f32 $1.442695020e+00, v22;
	v26 =	vadd.f32 $1.658227590e-01, v9;
	v14 =	vmul.f32 v14, v15  }
0xb6: {  	v25 =	vsub.f32 $0.0e+00, v25;
	v23 =	vadd.f32 $1.658227590e-01, v23;
	v9 =	vld [tilespmem:s16+$0x24];
	v24 =	vmul.f32 v24, v12  }
0xb7: {  	(erf) = vpow2.f32 v22;
	v26 =	vmul.f32 v26, v17;
	v22 =	vadd.f32 $3.315486310e-01, v14;
	v14 =	vld [tilespmem:s16+$0x20]  }
0xb8: {  	v20 =	vmax.f32 v6, $0.0e+00;
	v25 =	vmul.f32 $1.442695020e+00, v25;
	v24 =	vadd.f32 $-2.398261580e-01, v24  }
0xb9: {  	v18 =	vmax.f32 v4, $0.0e+00;
	v27 =	vmul.f32 v23, v13;
	v26 =	vadd.f32 $-2.398261580e-01, v26  }
0xba: {  	v21 =	vmax.f32 v10, $0.0e+00;
	(erf) = vpow2.f32 v25;
	v23 =	vmul.f32 v24, v12  }
0xbb: {  	s17 =	simm.s32 $0x8;
	s15 =	simm.s32 $0x4;
	v24 =	vand.u32 $0x7FFFFFFF, v9;
	v25 =	vmul.f32 v26, v17;
	v26 =	vadd.f32 $-2.398261580e-01, v27  }
.LBB2_4:
0xbc: {  	p1 =	sne.s32 s17, $0x1FC;
	v27 =	vand.u32 $0x7FFFFFFF, v14;
	v22 =	vmul.f32 v22, v15;
	v23 =	vadd.f32 $3.315486310e-01, v23  }
0xbd: {  	v24 =	vsub.f32 $0.0e+00, v24;
	v25 =	vadd.f32 $3.315486310e-01, v25;
	v26 =	vmul.f32 v26, v13  }
0xbe: {  	v27 =	vsub.f32 $0.0e+00, v27;
	v22 =	vadd.f32 $-4.998385610e-01, v22;
	v23 =	vmul.f32 v23, v12  }
0xbf: {  	v24 =	vmul.f32 $1.442695020e+00, v24;
	v25 =	vmul.f32 v25, v17;
	v28 =	vadd.f32 $3.315486310e-01, v26  }
0xc0: {  	v27 =	vmul.f32 $1.442695020e+00, v27;
	v22 =	vmul.f32 v22, v15;
	v23 =	vadd.f32 $-4.998385610e-01, v23  }
0xc1: {  	(erf) = vpow2.f32 v24;
	v24 =	vadd.f32 $-4.998385610e-01, v25;
	v25 =	vmul.f32 v28, v13;
	s18 =	spop (v2sf)  }
0xc2: {  	v26 =	vpop (erf);
	(erf) = vpow2.f32 v27;
	v22 =	vadd.f32 $9.999942770e-01, v22;
	v23 =	vmul.f32 v23, v12  }
0xc3: {  	s19 =	simm.f32 $-3.000000010e+38;
	p2 =	seq.s32 s18, $0x4B3;
	v27 =	vmul.f32 $6.151470820e-03, v26;
	v28 =	vpop (erf);
	v24 =	vmul.f32 v24, v17  }
0xc4: {  	v25 =	vadd.f32 $-4.998385610e-01, v25;
	s19 =	simm.s32 @!p2 $0x3F58E883;
	v29 =	vmul.f32 $6.151470820e-03, v28;
	v22 =	vmul.f32 v22, v15  }
0xc5: {  	v23 =	vadd.f32 $9.999942770e-01, v23;
	v15 =	vmovc v28;
	vm1 =	vge.f32 v4, s19;
	v24 =	vadd.f32 $9.999942770e-01, v24  }
0xc6: {  	s18 =	scvt.s32.f32 s18;
	vm2 =	vge.f32 v5, s19;
	v25 =	vmul.f32 v25, v13;
	v22 =	vadd.f32 $3.386965370e-08, v22  }
0xc7: {  	vm3 =	vge.f32 v6, s19;
	v23 =	vmul.f32 v23, v12;
	v12 =	vmovc v26;
	v17 =	vmul.f32 v24, v17  }
0xc8: {  	v24 =	vadd.f32 $9.999942770e-01, v25;
	v25 =	vmov s18;
	v21 =	vadd.f32 v22, v21  }
0xc9: {  	vm4 =	vge.f32 v10, s19;
	v22 =	vadd.f32 $3.386965370e-08, v23;
	vm5 =	veq.f32 v25, v1  }
0xca: {  	v23 =	vadd.f32 $3.386965370e-08, v17;
	v24 =	vmul.f32 v24, v13;
	v26 =	vsub.f32 v21, v10  }
0xcb: {  	v13 =	vpop (erf);
	v20 =	vadd.f32 v22, v20;
	v21 =	vnsel vm4, $0x0, v21;
	vm4 =	veq.f32 v25, v0  }
0xcc: {  	v17 =	vpop (erf);
	v22 =	vadd.f32 $3.386965370e-08, v24;
	v19 =	vadd.f32 v23, v19;
	v24 =	vsel vm4, v26, v21  }
0xcd: {  	v21 =	vsub.f32 v20, v6;
	v6 =	vmov v7;
	v7 =	vadd.f32 v24, v16  }
0xce: {  	v10 =	vmovc v8;
	v16 =	vnsel vm3, $0x0, v20;
	v18 =	vadd.f32 v22, v18;
	vm3 =	veq.f32 v25, v2  }
0xcf: {  	v20 =	vmul.f32 $6.151470820e-03, v13;
	v8 =	vsel vm5, v21, v16;
	v16 =	vsub.f32 v19, v5;
	v5 =	vmovc v14  }
0xd0: {  	v7 =	vadd.f32 v8, v7;
	v8 =	vnsel vm2, $0x0, v19;
	v14 =	vsub.f32 v18, v4;
	v4 =	vmovc v9  }
0xd1: {  	v9 =	vnsel vm1, $0x0, v18;
	vm1 =	veq.f32 v25, v3;
	v8 =	vsel vm3, v16, v8  }
0xd2: {  	v16 =	vsub.f32 $3.484971080e-02, v29;
	v7 =	vadd.f32 v8, v7;
	v8 =	vsel vm1, v14, v9  }
0xd3: {  	s18 =	sshra.s32 s15, $0x2;
	s15 =	smov.u32 s17;
	v19 =	vsub.f32 $3.484971080e-02, v27;
	v9 =	vmul.f32 $6.151470820e-03, v17;
	v8 =	vsel vm0, $0x0, v8  }
0xd4: {  	v23 =	vsub.f32 $3.484971080e-02, v20;
	v18 =	vmul.f32 v16, v15;
	v14 =	vld.idx.msk [tilespmem:v11+s18+$0x0 ss:$0x1], $0xffff;
	v16 =	vadd.f32 v8, v7  }
0xd5: {  	s16 =	sadd.s32 $0x80, s16;
	v22 =	vmul.f32 v19, v12;
	v9 =	vsub.f32 $3.484971080e-02, v9  }
0xd6: {  	v23 =	vmul.f32 v23, v13;
	v21 =	vadd.f32 $-9.325204040e-02, v18;
	v18 =	vmax.f32 v4, $0.0e+00;
	v7 =	vld [tilespmem:s16+$0x10]  }
0xd7: {  	v19 =	vmax.f32 v5, $0.0e+00;
	v22 =	vadd.f32 $-9.325204040e-02, v22;
	v9 =	vmul.f32 v9, v17;
	v8 =	vld [tilespmem:s16+$0x0]  }
0xd8: {  	v20 =	vmax.f32 v6, $0.0e+00;
	v23 =	vadd.f32 $-9.325204040e-02, v23;
	v24 =	vmul.f32 v21, v15  }
0xd9: {  	v22 =	vmul.f32 v22, v12;
	v21 =	vmax.f32 v10, $0.0e+00;
	v9 =	vadd.f32 $-9.325204040e-02, v9  }
0xda: {  	v23 =	vmul.f32 v23, v13;
	v24 =	vadd.f32 $1.658227590e-01, v24;
	(v2sf) =	vpush v14, $0x0  }
0xdb: {  	v22 =	vadd.f32 $1.658227590e-01, v22;
	v9 =	vmul.f32 v9, v17;
	v14 =	vand.u32 $0x7FFFFFFF, v7  }
0xdc: {  	v23 =	vadd.f32 $1.658227590e-01, v23;
	v24 =	vmul.f32 v24, v15;
	v25 =	vand.u32 $0x7FFFFFFF, v8  }
0xdd: {  	v14 =	vsub.f32 $0.0e+00, v14;
	v26 =	vadd.f32 $1.658227590e-01, v9  }
0xde: {  	v22 =	vmul.f32 v22, v12;
	v25 =	vsub.f32 $0.0e+00, v25;
	v24 =	vadd.f32 $-2.398261580e-01, v24;
	v9 =	vld [tilespmem:s16+$0x24]  }
.Ltmp1:
0xdf: {  	v27 =	vmul.f32 $1.442695020e+00, v14;
	v26 =	vmul.f32 v26, v17;
	v14 =	vld [tilespmem:s16+$0x20];
	(pc) =	sbr.rel @p1 .LBB2_4-.Ltmp1, $4  }
0xe0: {  	v28 =	vadd.f32 $-2.398261580e-01, v22;
	v25 =	vmul.f32 $1.442695020e+00, v25;
	v24 =	vmul.f32 v24, v15  }
0xe1: {  	v26 =	vadd.f32 $-2.398261580e-01, v26;
	(erf) = vpow2.f32 v27;
	v27 =	vmul.f32 v23, v13  }
0xe2: {  	v22 =	vadd.f32 $3.315486310e-01, v24;
	v23 =	vmul.f32 v28, v12;
	(erf) = vpow2.f32 v25  }
0xe3: {  	s17 =	sadd.s32 $0x4, s17;
	v25 =	vmul.f32 v26, v17;
	v24 =	vand.u32 $0x7FFFFFFF, v9;
	v26 =	vadd.f32 $-2.398261580e-01, v27  }
0xe4: {  	_ =	sdelay $0x1  }
0xe5: {  	v27 =	vand.u32 $0x7FFFFFFF, v14;
	v22 =	vmul.f32 v22, v15;
	v23 =	vadd.f32 $3.315486310e-01, v23  }
0xe6: {  	v24 =	vsub.f32 $0.0e+00, v24;
	s15 =	sshra.s32 s15, $0x2;
	v25 =	vadd.f32 $3.315486310e-01, v25;
	v26 =	vmul.f32 v26, v13  }
0xe7: {  	v27 =	vsub.f32 $0.0e+00, v27;
	v11 =	vld.idx.msk [tilespmem:v11+s15+$0x0 ss:$0x1], $0xffff;
	v22 =	vadd.f32 $-4.998385610e-01, v22  }
0xe8: {  	v23 =	vmul.f32 v23, v12;
	v24 =	vmul.f32 $1.442695020e+00, v24;
	v26 =	vadd.f32 $3.315486310e-01, v26  }
0xe9: {  	v25 =	vmul.f32 v25, v17;
	v22 =	vmul.f32 v22, v15  }
0xea: {  	v27 =	vmul.f32 $1.442695020e+00, v27;
	v23 =	vadd.f32 $-4.998385610e-01, v23;
	(erf) = vpow2.f32 v24  }
0xeb: {  	v59 =	vadd.f32 $-4.998385610e-01, v25;
	v60 =	vmul.f32 v26, v13;
	s16 =	spop (v2sf);
	v22 =	vadd.f32 $9.999942770e-01, v22  }
0xec: {  	s17 =	simm.f32 $-3.000000010e+38;
	v23 =	vmul.f32 v23, v12;
	p1 =	seq.s32 s16, $0x4B3;
	(v2sf) =	vpush v11, $0x0;
	v26 =	vpop (erf);
	(erf) = vpow2.f32 v27  }
0xed: {  	s16 =	scvt.s32.f32 s16;
	v24 =	vmul.f32 v59, v17;
	v25 =	vadd.f32 $-4.998385610e-01, v60;
	s17 =	simm.s32 @!p1 $0x3F58E883;
	v61 =	vmul.f32 $6.151470820e-03, v26  }
0xee: {  	v62 =	vmul.f32 v22, v15;
	v23 =	vadd.f32 $9.999942770e-01, v23;
	vm1 =	vge.f32 v4, s17  }
0xef: {  	vm2 =	vge.f32 v5, s17;
	vm3 =	vge.f32 v6, s17;
	v32 =	vmov s16  }
0xf0: {  	v28 =	vpop (erf);
	vm4 =	vge.f32 v10, s17;
	v24 =	vadd.f32 $9.999942770e-01, v24;
	v25 =	vmul.f32 v25, v13  }
0xf1: {  	v63 =	vmul.f32 $6.151470820e-03, v28;
	v15 =	vadd.f32 $3.386965370e-08, v62;
	v29 =	vmul.f32 v23, v12  }
0xf2: {  	v39 =	vsub.f32 $3.484971080e-02, v61;
	v30 =	vmul.f32 v24, v17;
	v31 =	vadd.f32 $9.999942770e-01, v25  }
0xf3: {  	vm12 =	veq.f32 v32, v0;
	v22 =	vsub.f32 $3.484971080e-02, v63;
	v15 =	vadd.f32 v15, v21  }
0xf4: {  	v12 =	vadd.f32 $3.386965370e-08, v29;
	v17 =	vadd.f32 $3.386965370e-08, v30;
	v33 =	vmul.f32 v31, v13;
	v34 =	vpop (erf)  }
0xf5: {  	v38 =	vmul.f32 v22, v28;
	v22 =	vmul.f32 v39, v26;
	v35 =	vsub.f32 v15, v10;
	v36 =	vpop (erf)  }
0xf6: {  	v15 =	vnsel vm4, $0x0, v15;
	v12 =	vadd.f32 v12, v20;
	v37 =	vmul.f32 $6.151470820e-03, v36  }
0xf7: {  	v40 =	vmul.f32 $6.151470820e-03, v34;
	v13 =	vadd.f32 $3.386965370e-08, v33;
	v20 =	vadd.f32 $-9.325204040e-02, v38  }
0xf8: {  	v17 =	vadd.f32 v17, v19;
	v10 =	vsel vm12, v35, v15;
	v15 =	vsub.f32 $3.484971080e-02, v37  }
0xf9: {  	vm13 =	veq.f32 v32, v1;
	v43 =	vadd.f32 $-9.325204040e-02, v22;
	v41 =	vsub.f32 $3.484971080e-02, v40  }
0xfa: {  	v6 =	vsub.f32 v12, v6;
	v42 =	vmul.f32 v20, v28;
	v15 =	vmul.f32 v15, v36  }
0xfb: {  	v10 =	vadd.f32 v10, v16;
	v44 =	vmul.f32 v43, v26;
	v19 =	vmul.f32 v41, v34  }
0xfc: {  	v12 =	vnsel vm3, $0x0, v12;
	v16 =	vadd.f32 $1.658227590e-01, v42;
	v15 =	vadd.f32 $-9.325204040e-02, v15  }
0xfd: {  	vm3 =	veq.f32 v32, v2;
	v48 =	vadd.f32 $1.658227590e-01, v44;
	v46 =	vadd.f32 $-9.325204040e-02, v19  }
0xfe: {  	v13 =	vadd.f32 v13, v18;
	v47 =	vmul.f32 v16, v28;
	v45 =	vmul.f32 v15, v36  }
0xff: {  	v5 =	vsub.f32 v17, v5;
	v16 =	vmul.f32 v48, v26;
	v15 =	vmul.f32 v46, v34  }
0x100: {  	v6 =	vsel vm13, v6, v12;
	v12 =	vadd.f32 $-2.398261580e-01, v47;
	v11 =	vadd.f32 $1.658227590e-01, v45  }
0x101: {  	v51 =	vnsel vm2, $0x0, v17;
	v16 =	vadd.f32 $-2.398261580e-01, v16;
	v50 =	vadd.f32 $1.658227590e-01, v15  }
0x102: {  	v6 =	vadd.f32 v6, v10;
	v12 =	vmul.f32 v12, v28;
	v49 =	vmul.f32 v11, v36  }
0x103: {  	v4 =	vsub.f32 v13, v4;
	v52 =	vmul.f32 v16, v26;
	v11 =	vmul.f32 v50, v34  }
0x104: {  	v5 =	vsel vm3, v5, v51;
	v12 =	vadd.f32 $3.315486310e-01, v12;
	v10 =	vadd.f32 $-2.398261580e-01, v49  }
0x105: {  	v13 =	vnsel vm1, $0x0, v13;
	v15 =	vadd.f32 $3.315486310e-01, v52;
	v11 =	vadd.f32 $-2.398261580e-01, v11  }
0x106: {  	vm1 =	veq.f32 v32, v3;
	v12 =	vmul.f32 v12, v28;
	v10 =	vmul.f32 v10, v36  }
0x107: {  	v5 =	vadd.f32 v5, v6;
	v55 =	vmul.f32 v15, v26;
	v53 =	vmul.f32 v11, v34  }
0x108: {  	v4 =	vsel vm1, v4, v13;
	v54 =	vadd.f32 $-4.998385610e-01, v12;
	v6 =	vadd.f32 $3.315486310e-01, v10  }
0x109: {  	v4 =	vsel vm0, $0x0, v4;
	v56 =	vadd.f32 $-4.998385610e-01, v55;
	v10 =	vadd.f32 $3.315486310e-01, v53  }
0x10a: {  	v4 =	vadd.f32 v4, v5;
	v5 =	vmul.f32 v54, v28;
	v6 =	vmul.f32 v6, v36  }
0x10b: {  	v57 =	vmax.f32 v9, $0.0e+00;
	v11 =	vmul.f32 v56, v26;
	v10 =	vmul.f32 v10, v34  }
0x10c: {  	v58 =	vmax.f32 v14, $0.0e+00;
	s16 =	simm.f32 $-3.000000010e+38;
	s31 =	spop (v2sf);
	v5 =	vadd.f32 $9.999942770e-01, v5;
	v6 =	vadd.f32 $-4.998385610e-01, v6  }
0x10d: {  	v59 =	vmax.f32 v7, $0.0e+00;
	p1 =	seq.s32 s31, $0x4B3;
	v11 =	vadd.f32 $9.999942770e-01, v11;
	v10 =	vadd.f32 $-4.998385610e-01, v10  }
0x10e: {  	v60 =	vmax.f32 v8, $0.0e+00;
	s16 =	simm.s32 @!p1 $0x3F58E883;
	v5 =	vmul.f32 v5, v28;
	v6 =	vmul.f32 v6, v36  }
0x10f: {  	vm1 =	vge.f32 v9, s16;
	v11 =	vmul.f32 v11, v26;
	v10 =	vmul.f32 v10, v34  }
0x110: {  	s15 =	scvt.s32.f32 s31;
	vm2 =	vge.f32 v14, s16;
	v5 =	vadd.f32 $3.386965370e-08, v5;
	v6 =	vadd.f32 $9.999942770e-01, v6  }
0x111: {  	vm3 =	vge.f32 v7, s16;
	v11 =	vadd.f32 $3.386965370e-08, v11;
	v10 =	vadd.f32 $9.999942770e-01, v10  }
0x112: {  	v61 =	vmov s15;
	v5 =	vadd.f32 v5, v60;
	v6 =	vmul.f32 v6, v36  }
0x113: {  	vm14 =	vge.f32 v8, s16;
	v11 =	vadd.f32 v11, v59;
	v10 =	vmul.f32 v10, v34  }
0x114: {  	vm5 =	veq.f32 v61, v1;
	v62 =	vsub.f32 v5, v8;
	v6 =	vadd.f32 $3.386965370e-08, v6  }
0x115: {  	vm15 =	veq.f32 v61, v0;
	v5 =	vnsel vm14, $0x0, v5;
	v10 =	vadd.f32 $3.386965370e-08, v10  }
0x116: {  	v7 =	vsub.f32 v11, v7;
	v5 =	vsel vm15, v62, v5;
	v6 =	vadd.f32 v6, v58  }
0x117: {  	v4 =	vadd.f32 v5, v4;
	v5 =	vnsel vm3, $0x0, v11;
	v63 =	vadd.f32 v10, v57  }
0x118: {  	vm3 =	veq.f32 v61, v2;
	v5 =	vsel vm5, v7, v5;
	v7 =	vsub.f32 v6, v14  }
.Ltmp2:
0x119: {  	v4 =	vadd.f32 v5, v4;
	v5 =	vnsel vm2, $0x0, v6;
	v6 =	vsub.f32 v63, v9;
	(pc) =	sbr.rel @p0 .LBB2_7-.Ltmp2, $4  }
0x11a: {  	v5 =	vsel vm3, v7, v5;
	v7 =	vnsel vm1, $0x0, v63;
	vm1 =	veq.f32 v61, v3  }
0x11b: {  	v4 =	vadd.f32 v5, v4;
	v5 =	vsel vm1, v6, v7  }
0x11c: {  	v5 =	vsel vm0, $0x0, v5  }
0x11d: {  	v4 =	vadd.f32 v5, v4  }
0x11e: {  	s14 =	sadd.s32 s14, s9  }
.Ltmp3:
0x11f: {  	s14 =	sshrl.u32 s14, $0x3;
	(pc) =	sbr.rel .LBB2_1-.Ltmp3, $4  }
0x120: {  	s14 =	smul.u32 $0x500, s14  }
0x121: {  	s13 =	sadd.s32 $0x1, s13  }
0x122: {  	s2 =	sadd.s32 $0x100, s2;
	s10 =	sadd.s32 $0x100, s10;
	s14 =	sadd.s32 s14, s3  }
0x123: {  	[tilespmem:s7], [sflag:$0x2] =	stream.strided.gather [hbm4b:s14+s5], $0x4000, s6, s5, $0x38;
	[tilespmem:$0x8500] =	vst v63  }
.LBB2_7:
0x124: {  	s2 =	sshll.u32 s1, $0x1;
	s3 =	simm.s32 $0x0  }
0x125: {  	s30 =	simm.s32 $0x8480;
	s31 =	simm.s32 $0x3;
	s2 =	sadd.s32 s4, s2;
	[tilespmem:$0x8480] =	vst v4  }
0x126: {  	[hbm4b:s2+s3] =	stream.linear.scatter [tilespmem:s30], [sflag:$0x3], $0x10, $0x38;
	[tilespmem:$0x8500] =	vst v63  }
0x127: {  	_ =	swait.ge [sflag:s31], $0x10  }
0x128: {  	[sflag:s31] =	ssyncset.done $0x0  }
0x129: {  	[sflag:s31] =	ssyncadd.s32 $0xFFFFFFF0  }
0x12a: {  	_ =	sfence.sel $0x180000  }
0x12b: {  	[bflag:$0x0] =	sbarrier.arrive $0xFFFF  }
0x12c: {  	p0 =	sne.s32 s1, $0x0;
	_ =	strace $0x90000047  }
0x12d: {  	s0 =	sadd.s32 @!p0 $0x100000, s0;
	[bflag:$0x2] =	sbarrier.arrive $0xFFFF  }
0x12e: {  	[sflag:s0] =	ssyncadd.tile.s32 @!p0 $0x1;
	_ =	shalt  }
.Lfunc_end2:
_tile_overlayer_lowered:
.L_overlay_start_2:
0x12f: {  	(tag) =	ssettag $0x2  }
0x130: {  	s0 =	rddreg [dreg:$0x0];
	s2 =	stileid.u32  }
0x131: {  	s1 =	rddreg [dreg:$0x1];
	p0 =	sne.s32 s2, $0x0  }
0x132: {  	s3 =	rddreg [dreg:$0x2];
	[bflag:$0x3] =	sbarrier.arrive $0xFFFF;
	s2 =	simm.s32 @!p0 $0x1C03  }
0x133: {  	[timem:s3], [sflag:s2] =	dma.local @!p0 [hbm:s0], s1  }
0x134: {  	s0 =	simm.s32 @!p0 $0x3  }
0x135: {  	_ =	swait.ge @!p0 [sflag:s0], s1  }
0x136: {  	s1 =	ssub.s32 @!p0 $0x0, s1;
	[sflag:s0] =	ssyncset.done @!p0 $0x0  }
0x137: {  	[sflag:s0] =	ssyncadd.s32 @!p0 s1  }
0x138: {  	[bflag:$0x3] =	sbarrier.arrive $0xFFFF  }
0x139: {  	_ =	shalt  }

</sc_bundles>
